<compile_context>
chip_gen: v7x
topology: tpu7x:2x2x1
jax: 0.10.2.dev20260603
libtpu: 0.0.44.dev20260713+nightly
codegen_flags: <defaults>
</compile_context>

<pallas_src>
import functools

import jax
import jax.numpy as jnp
from jax import lax
from jax.experimental import pallas as pl
from jax.experimental.pallas import tpu as pltpu
from jax.experimental.pallas import tpu_sc as plsc

D = 128
CHUNK = 128
NBUF = 4
LA = 3
SPM_N = 2
NC, NS = 2, 16
NW = NC * NS


@functools.partial(jax.jit, static_argnums=(2,))
def _gather(table, idx, B):
  per_w = B // NW
  n_chunks = per_w // CHUNK
  mesh = plsc.VectorSubcoreMesh(core_axis_name="c", subcore_axis_name="s")

  @functools.partial(
      pl.kernel,
      mesh=mesh,
      out_type=jax.ShapeDtypeStruct((B, D), jnp.float32),
      scratch_types=[
          pltpu.VMEM((n_chunks, CHUNK), jnp.int32),
          pltpu.VMEM((NBUF, CHUNK, D), jnp.float32),
          pltpu.VMEM_SHARED((NS, SPM_N, CHUNK, D), jnp.float32),
          pltpu.SemaphoreType.DMA((NBUF,)),
          pltpu.SemaphoreType.DMA((SPM_N,)),
          pltpu.SemaphoreType.DMA((SPM_N,)),
      ],
  )
  def k(table_hbm, idx_hbm, out_hbm, idx_v, rows_v, spm, gsem, xsem, dsem):
    s = lax.axis_index("s")
    wid = s * NC + lax.axis_index("c")
    base = wid * per_w
    pltpu.sync_copy(idx_hbm.at[wid], idx_v)

    def start_gather(c, b):
      pltpu.make_async_copy(
          table_hbm.at[idx_v.at[c]], rows_v.at[b], gsem.at[b]
      ).start()

    def wait_gather(b):
      pltpu.make_async_copy(
          table_hbm.at[idx_v.at[0]], rows_v.at[b], gsem.at[b]
      ).wait()

    def start_xbar(b, sp):
      pltpu.make_async_copy(rows_v.at[b], spm.at[s, sp], xsem.at[sp]).start()

    def wait_xbar(sp):
      pltpu.make_async_copy(rows_v.at[0], spm.at[s, sp], xsem.at[sp]).wait()

    def start_dma(c, sp):
      pltpu.make_async_copy(
          spm.at[s, sp], out_hbm.at[pl.ds(base + c * CHUNK, CHUNK)], dsem.at[sp]
      ).start()

    def wait_dma(sp):
      pltpu.make_async_copy(
          spm.at[s, sp], out_hbm.at[pl.ds(base, CHUNK)], dsem.at[sp]
      ).wait()

    for b in range(LA):
      start_gather(b, b)

    @pl.loop(0, n_chunks, step=NBUF)
    def _(j):
      for b in range(NBUF):
        c = j + b
        sp = b % SPM_N

        @pl.when(c >= SPM_N)
        def _():
          wait_dma(sp)

        wait_gather(b)
        start_xbar(b, sp)

        sp1 = (b - 1) % SPM_N

        @pl.when(c >= 1)
        def _():
          wait_xbar(sp1)
          start_dma(c - 1, sp1)

        @pl.when(c + LA < n_chunks)
        def _():
          start_gather(c + LA, (b + LA) % NBUF)

    wait_xbar((n_chunks - 1) % SPM_N)
    start_dma(n_chunks - 1, (n_chunks - 1) % SPM_N)
    for sp in range(SPM_N):
      wait_dma(sp)

  return k(table, idx)


def kernel(w, table):
  B = w.size
  idx = w.reshape(-1).astype(jnp.int32).reshape(NW, B // (NW * CHUNK), CHUNK)
  out = _gather(table, idx, B)
  return out.reshape(*w.shape, D)

# --- scband reference (transcript-rebuilt; emitter-appended) ---
"""Pipeline reference for scband-embedding-layer-12335146074612 (READ-ONLY COPY).

The authoritative reference and input builder live on the scoring server;
editing this copy changes nothing except your own understanding.
"""

import jax, jax.numpy as jnp
import numpy as np


def setup_inputs(seed: int = 0) -> dict:
    key = jax.random.key(seed)
    k1, k2 = jax.random.split(key)
    w = jax.random.randint(k1, (4096, 200), 0, 100000, dtype=jnp.int64)
    table = jax.random.normal(k2, (100000, 128), dtype=jnp.float32) * 0.02
    return {"w": w, "table": table}


def reference(w, table):
    # nn.Embedding forward: gather rows of the embedding table by index
    return jnp.take(table, w, axis=0)

if __name__ == "__main__":
    import jax
    _d = setup_inputs()
    print(jax.jit(kernel)(*tuple(_d.values())))

</pallas_src>

<mosaic_0001>
#map = affine_map<(d0, d1) -> (0, 0)>
#map1 = affine_map<(d0, d1) -> (0, 0, 0)>
module attributes {stable_mosaic.version = 14 : i64} {
  func.func @k(%arg0: i32, %arg1: i32, %arg2: memref<100000x128xf32, #tpu.memory_space<hbm>>, %arg3: memref<32x200x128xi32, #tpu.memory_space<hbm>>, %arg4: memref<819200x128xf32, #tpu.memory_space<hbm>>, %arg5: memref<200x128xi32, #tpu.memory_space<vmem>>, %arg6: memref<4x128x128xf32, #tpu.memory_space<vmem>>, %arg7: memref<16x2x128x128xf32, #tpu.memory_space<vmem_shared>>, %arg8: memref<4x!tpu.dma_semaphore, #tpu.memory_space<semaphore_mem>>, %arg9: memref<2x!tpu.dma_semaphore, #tpu.memory_space<semaphore_mem>>, %arg10: memref<2x!tpu.dma_semaphore, #tpu.memory_space<semaphore_mem>>) attributes {dimension_semantics = [#tpu.dimension_semantics<core_parallel>, #tpu.dimension_semantics<subcore_parallel>], iteration_bounds = array<i64: 2, 16>, scalar_prefetch = 0 : i64, scratch_operands = 6 : i64, tpu.core_type = #tpu.core_type<sc_vector_subcore>, window_params = [{transform_indices = #map}, {transform_indices = #map1}, {transform_indices = #map}]} {
    %mul3A = arith.constant 2 : i32
    %mul3A_0 = arith.muli %arg1, %mul3A : i32
    %add3A = arith.addi %mul3A_0, %arg0 : i32
    %mul3A_1 = arith.constant 25600 : i32
    %mul3A_2 = arith.muli %add3A, %mul3A_1 : i32
    "tpu.region"() ({
      %run_scoped3A = tpu.sem_alloc : memref<!tpu.dma_semaphore, #tpu.memory_space<semaphore_mem>>
      %dma_start3A_103 = arith.constant 0 : i32
      %dma_start3A_104 = arith.constant 0 : i32
      %dma_start3A_105 = tpu.memref_slice %arg3[%add3A, %dma_start3A_103, %dma_start3A_104] : memref<32x200x128xi32, #tpu.memory_space<hbm>> -> memref<1x200x128xi32, #tpu.memory_space<hbm>>
      %dma_start3A_106 = tpu.memref_squeeze %dma_start3A_105 : memref<1x200x128xi32, #tpu.memory_space<hbm>> -> memref<200x128xi32, #tpu.memory_space<hbm>>
      %dma_start3A_107 = arith.constant 0 : i32
      %dma_start3A_108 = arith.constant 0 : i32
      %dma_start3A_109 = tpu.memref_slice %arg3[%add3A, %dma_start3A_107, %dma_start3A_108] : memref<32x200x128xi32, #tpu.memory_space<hbm>> -> memref<1x200x128xi32, #tpu.memory_space<hbm>>
      %dma_start3A_110 = tpu.memref_squeeze %dma_start3A_109 : memref<1x200x128xi32, #tpu.memory_space<hbm>> -> memref<200x128xi32, #tpu.memory_space<hbm>>
      tpu.enqueue_dma source(%dma_start3A_110 : memref<200x128xi32, #tpu.memory_space<hbm>>) target(%arg5 : memref<200x128xi32, #tpu.memory_space<vmem>>) target_semaphore(%run_scoped3A : memref<!tpu.dma_semaphore, #tpu.memory_space<semaphore_mem>>)
      %dma_wait3A_111 = arith.constant 0 : i32
      %dma_wait3A_112 = arith.constant 0 : i32
      %dma_wait3A_113 = tpu.memref_slice %arg3[%add3A, %dma_wait3A_111, %dma_wait3A_112] : memref<32x200x128xi32, #tpu.memory_space<hbm>> -> memref<1x200x128xi32, #tpu.memory_space<hbm>>
      %dma_wait3A_114 = tpu.memref_squeeze %dma_wait3A_113 : memref<1x200x128xi32, #tpu.memory_space<hbm>> -> memref<200x128xi32, #tpu.memory_space<hbm>>
      %dma_wait3A_115 = arith.constant 0 : i32
      %dma_wait3A_116 = arith.constant 0 : i32
      %dma_wait3A_117 = tpu.memref_slice %arg3[%add3A, %dma_wait3A_115, %dma_wait3A_116] : memref<32x200x128xi32, #tpu.memory_space<hbm>> -> memref<1x200x128xi32, #tpu.memory_space<hbm>>
      %dma_wait3A_118 = tpu.memref_squeeze %dma_wait3A_117 : memref<1x200x128xi32, #tpu.memory_space<hbm>> -> memref<200x128xi32, #tpu.memory_space<hbm>>
      tpu.wait_dma2 semaphore(%run_scoped3A : memref<!tpu.dma_semaphore, #tpu.memory_space<semaphore_mem>>) src(%dma_wait3A_118 : memref<200x128xi32, #tpu.memory_space<hbm>>) dst(%arg5 : memref<200x128xi32, #tpu.memory_space<vmem>>)
      tpu.yield
    }) : () -> ()
    %dma_start3A = arith.constant 0 : i32
    %dma_start3A_3 = arith.constant 0 : i32
    %dma_start3A_4 = arith.constant 0 : i32
    %dma_start3A_5 = arith.constant 0 : i32
    %dma_start3A_6 = arith.constant 0 : i32
    %dma_start3A_7 = tpu.memref_slice %arg6[%dma_start3A_3, %dma_start3A_5, %dma_start3A_6] : memref<4x128x128xf32, #tpu.memory_space<vmem>> -> memref<1x128x128xf32, #tpu.memory_space<vmem>>
    %dma_start3A_8 = tpu.memref_squeeze %dma_start3A_7 : memref<1x128x128xf32, #tpu.memory_space<vmem>> -> memref<128x128xf32, #tpu.memory_space<vmem>>
    %dma_start3A_9 = arith.constant 0 : i32
    %dma_start3A_10 = tpu.memref_slice %arg5[%dma_start3A, %dma_start3A_9] : memref<200x128xi32, #tpu.memory_space<vmem>> -> memref<1x128xi32, #tpu.memory_space<vmem>>
    %dma_start3A_11 = tpu.memref_squeeze %dma_start3A_10 : memref<1x128xi32, #tpu.memory_space<vmem>> -> memref<128xi32, #tpu.memory_space<vmem>>
    %dma_start3A_12 = arith.constant 0 : i32
    %dma_start3A_13 = arith.constant 0 : i32
    %dma_start3A_14 = tpu.memref_slice %arg2[%dma_start3A_12, %dma_start3A_13] : memref<100000x128xf32, #tpu.memory_space<hbm>> -> memref<100000x128xf32, #tpu.memory_space<hbm>>
    %dma_start3A_15 = tpu.memref_slice %arg8[%dma_start3A_4] : memref<4x!tpu.dma_semaphore, #tpu.memory_space<semaphore_mem>> -> memref<1x!tpu.dma_semaphore, #tpu.memory_space<semaphore_mem>>
    %dma_start3A_16 = tpu.memref_squeeze %dma_start3A_15 : memref<1x!tpu.dma_semaphore, #tpu.memory_space<semaphore_mem>> -> memref<!tpu.dma_semaphore, #tpu.memory_space<semaphore_mem>>
    tpu.enqueue_indirect_dma source(%dma_start3A_14 : memref<100000x128xf32, #tpu.memory_space<hbm>>) target(%dma_start3A_8 : memref<128x128xf32, #tpu.memory_space<vmem>>) offsets(%dma_start3A_11 : memref<128xi32, #tpu.memory_space<vmem>>) semaphore(%dma_start3A_16 : memref<!tpu.dma_semaphore, #tpu.memory_space<semaphore_mem>>)
    %dma_start3A_17 = arith.constant 1 : i32
    %dma_start3A_18 = arith.constant 1 : i32
    %dma_start3A_19 = arith.constant 1 : i32
    %dma_start3A_20 = arith.constant 0 : i32
    %dma_start3A_21 = arith.constant 0 : i32
    %dma_start3A_22 = tpu.memref_slice %arg6[%dma_start3A_18, %dma_start3A_20, %dma_start3A_21] : memref<4x128x128xf32, #tpu.memory_space<vmem>> -> memref<1x128x128xf32, #tpu.memory_space<vmem>>
    %dma_start3A_23 = tpu.memref_squeeze %dma_start3A_22 : memref<1x128x128xf32, #tpu.memory_space<vmem>> -> memref<128x128xf32, #tpu.memory_space<vmem>>
    %dma_start3A_24 = arith.constant 0 : i32
    %dma_start3A_25 = tpu.memref_slice %arg5[%dma_start3A_17, %dma_start3A_24] : memref<200x128xi32, #tpu.memory_space<vmem>> -> memref<1x128xi32, #tpu.memory_space<vmem>>
    %dma_start3A_26 = tpu.memref_squeeze %dma_start3A_25 : memref<1x128xi32, #tpu.memory_space<vmem>> -> memref<128xi32, #tpu.memory_space<vmem>>
    %dma_start3A_27 = arith.constant 0 : i32
    %dma_start3A_28 = arith.constant 0 : i32
    %dma_start3A_29 = tpu.memref_slice %arg2[%dma_start3A_27, %dma_start3A_28] : memref<100000x128xf32, #tpu.memory_space<hbm>> -> memref<100000x128xf32, #tpu.memory_space<hbm>>
    %dma_start3A_30 = tpu.memref_slice %arg8[%dma_start3A_19] : memref<4x!tpu.dma_semaphore, #tpu.memory_space<semaphore_mem>> -> memref<1x!tpu.dma_semaphore, #tpu.memory_space<semaphore_mem>>
    %dma_start3A_31 = tpu.memref_squeeze %dma_start3A_30 : memref<1x!tpu.dma_semaphore, #tpu.memory_space<semaphore_mem>> -> memref<!tpu.dma_semaphore, #tpu.memory_space<semaphore_mem>>
    tpu.enqueue_indirect_dma source(%dma_start3A_29 : memref<100000x128xf32, #tpu.memory_space<hbm>>) target(%dma_start3A_23 : memref<128x128xf32, #tpu.memory_space<vmem>>) offsets(%dma_start3A_26 : memref<128xi32, #tpu.memory_space<vmem>>) semaphore(%dma_start3A_31 : memref<!tpu.dma_semaphore, #tpu.memory_space<semaphore_mem>>)
    %dma_start3A_32 = arith.constant 2 : i32
    %dma_start3A_33 = arith.constant 2 : i32
    %dma_start3A_34 = arith.constant 2 : i32
    %dma_start3A_35 = arith.constant 0 : i32
    %dma_start3A_36 = arith.constant 0 : i32
    %dma_start3A_37 = tpu.memref_slice %arg6[%dma_start3A_33, %dma_start3A_35, %dma_start3A_36] : memref<4x128x128xf32, #tpu.memory_space<vmem>> -> memref<1x128x128xf32, #tpu.memory_space<vmem>>
    %dma_start3A_38 = tpu.memref_squeeze %dma_start3A_37 : memref<1x128x128xf32, #tpu.memory_space<vmem>> -> memref<128x128xf32, #tpu.memory_space<vmem>>
    %dma_start3A_39 = arith.constant 0 : i32
    %dma_start3A_40 = tpu.memref_slice %arg5[%dma_start3A_32, %dma_start3A_39] : memref<200x128xi32, #tpu.memory_space<vmem>> -> memref<1x128xi32, #tpu.memory_space<vmem>>
    %dma_start3A_41 = tpu.memref_squeeze %dma_start3A_40 : memref<1x128xi32, #tpu.memory_space<vmem>> -> memref<128xi32, #tpu.memory_space<vmem>>
    %dma_start3A_42 = arith.constant 0 : i32
    %dma_start3A_43 = arith.constant 0 : i32
    %dma_start3A_44 = tpu.memref_slice %arg2[%dma_start3A_42, %dma_start3A_43] : memref<100000x128xf32, #tpu.memory_space<hbm>> -> memref<100000x128xf32, #tpu.memory_space<hbm>>
    %dma_start3A_45 = tpu.memref_slice %arg8[%dma_start3A_34] : memref<4x!tpu.dma_semaphore, #tpu.memory_space<semaphore_mem>> -> memref<1x!tpu.dma_semaphore, #tpu.memory_space<semaphore_mem>>
    %dma_start3A_46 = tpu.memref_squeeze %dma_start3A_45 : memref<1x!tpu.dma_semaphore, #tpu.memory_space<semaphore_mem>> -> memref<!tpu.dma_semaphore, #tpu.memory_space<semaphore_mem>>
    tpu.enqueue_indirect_dma source(%dma_start3A_44 : memref<100000x128xf32, #tpu.memory_space<hbm>>) target(%dma_start3A_38 : memref<128x128xf32, #tpu.memory_space<vmem>>) offsets(%dma_start3A_41 : memref<128xi32, #tpu.memory_space<vmem>>) semaphore(%dma_start3A_46 : memref<!tpu.dma_semaphore, #tpu.memory_space<semaphore_mem>>)
    %scan3A = arith.constant 0 : i32
    %scan3A_47 = arith.constant 50 : i32
    %scan3A_48 = arith.addi %scan3A, %scan3A_47 : i32
    %scan3A_49 = arith.constant 1 : i32
    scf.for %scan3A_103 = %scan3A to %scan3A_48 step %scan3A_49  : i32 {
      %mul3A_104 = arith.constant 4 : i32
      %mul3A_105 = arith.muli %scan3A_103, %mul3A_104 : i32
      %add3A_106 = arith.constant 0 : i32
      %add3A_107 = arith.addi %add3A_106, %mul3A_105 : i32
      %add3A_108 = arith.constant 0 : i32
      %add3A_109 = arith.addi %add3A_107, %add3A_108 : i32
      %ge3A = arith.constant 2 : i32
      %ge3A_110 = arith.cmpi sge, %add3A_109, %ge3A : i32
      %convert_element_type3A = arith.extui %ge3A_110 : i1 to i32
      %cond3A = arith.constant 0 : i32
      %cond3A_111 = arith.cmpi ne, %convert_element_type3A, %cond3A : i32
      scf.if %cond3A_111 {
        %dma_wait3A_324 = arith.constant 0 : i32
        %dma_wait3A_325 = arith.constant 0 : i32
        %dma_wait3A_326 = tpu.memref_slice %arg10[%dma_wait3A_325] : memref<2x!tpu.dma_semaphore, #tpu.memory_space<semaphore_mem>> -> memref<1x!tpu.dma_semaphore, #tpu.memory_space<semaphore_mem>>
        %dma_wait3A_327 = tpu.memref_squeeze %dma_wait3A_326 : memref<1x!tpu.dma_semaphore, #tpu.memory_space<semaphore_mem>> -> memref<!tpu.dma_semaphore, #tpu.memory_space<semaphore_mem>>
        %dma_wait3A_328 = arith.constant 0 : i32
        %dma_wait3A_329 = tpu.memref_slice %arg4[%mul3A_2, %dma_wait3A_328] : memref<819200x128xf32, #tpu.memory_space<hbm>> -> memref<128x128xf32, #tpu.memory_space<hbm>>
        %dma_wait3A_330 = arith.constant 0 : i32
        %dma_wait3A_331 = arith.constant 0 : i32
        %dma_wait3A_332 = tpu.memref_slice %arg7[%arg1, %dma_wait3A_324, %dma_wait3A_330, %dma_wait3A_331] : memref<16x2x128x128xf32, #tpu.memory_space<vmem_shared>> -> memref<1x1x128x128xf32, #tpu.memory_space<vmem_shared>>
        %dma_wait3A_333 = tpu.memref_squeeze %dma_wait3A_332 : memref<1x1x128x128xf32, #tpu.memory_space<vmem_shared>> -> memref<128x128xf32, #tpu.memory_space<vmem_shared>>
        tpu.wait_dma2 semaphore(%dma_wait3A_327 : memref<!tpu.dma_semaphore, #tpu.memory_space<semaphore_mem>>) src(%dma_wait3A_333 : memref<128x128xf32, #tpu.memory_space<vmem_shared>>) dst(%dma_wait3A_329 : memref<128x128xf32, #tpu.memory_space<hbm>>)
      } else {
      }
      %dma_wait3A_112 = arith.constant 0 : i32
      %dma_wait3A_113 = arith.constant 0 : i32
      %dma_wait3A_114 = arith.constant 0 : i32
      %dma_wait3A_115 = arith.constant 0 : i32
      %dma_wait3A_116 = arith.constant 0 : i32
      %dma_wait3A_117 = tpu.memref_slice %arg6[%dma_wait3A_113, %dma_wait3A_115, %dma_wait3A_116] : memref<4x128x128xf32, #tpu.memory_space<vmem>> -> memref<1x128x128xf32, #tpu.memory_space<vmem>>
      %dma_wait3A_118 = tpu.memref_squeeze %dma_wait3A_117 : memref<1x128x128xf32, #tpu.memory_space<vmem>> -> memref<128x128xf32, #tpu.memory_space<vmem>>
      %dma_wait3A_119 = arith.constant 0 : i32
      %dma_wait3A_120 = tpu.memref_slice %arg5[%dma_wait3A_112, %dma_wait3A_119] : memref<200x128xi32, #tpu.memory_space<vmem>> -> memref<1x128xi32, #tpu.memory_space<vmem>>
      %dma_wait3A_121 = tpu.memref_squeeze %dma_wait3A_120 : memref<1x128xi32, #tpu.memory_space<vmem>> -> memref<128xi32, #tpu.memory_space<vmem>>
      %dma_wait3A_122 = arith.constant 0 : i32
      %dma_wait3A_123 = arith.constant 0 : i32
      %dma_wait3A_124 = tpu.memref_slice %arg2[%dma_wait3A_122, %dma_wait3A_123] : memref<100000x128xf32, #tpu.memory_space<hbm>> -> memref<100000x128xf32, #tpu.memory_space<hbm>>
      %dma_wait3A_125 = tpu.memref_slice %arg8[%dma_wait3A_114] : memref<4x!tpu.dma_semaphore, #tpu.memory_space<semaphore_mem>> -> memref<1x!tpu.dma_semaphore, #tpu.memory_space<semaphore_mem>>
      %dma_wait3A_126 = tpu.memref_squeeze %dma_wait3A_125 : memref<1x!tpu.dma_semaphore, #tpu.memory_space<semaphore_mem>> -> memref<!tpu.dma_semaphore, #tpu.memory_space<semaphore_mem>>
      tpu.wait_indirect_dma semaphore(%dma_wait3A_126 : memref<!tpu.dma_semaphore, #tpu.memory_space<semaphore_mem>>) src(%dma_wait3A_124 : memref<100000x128xf32, #tpu.memory_space<hbm>>) dst(%dma_wait3A_118 : memref<128x128xf32, #tpu.memory_space<vmem>>)
      %dma_start3A_127 = arith.constant 0 : i32
      %dma_start3A_128 = arith.constant 0 : i32
      %dma_start3A_129 = arith.constant 0 : i32
      %dma_start3A_130 = arith.constant 0 : i32
      %dma_start3A_131 = arith.constant 0 : i32
      %dma_start3A_132 = tpu.memref_slice %arg6[%dma_start3A_127, %dma_start3A_130, %dma_start3A_131] : memref<4x128x128xf32, #tpu.memory_space<vmem>> -> memref<1x128x128xf32, #tpu.memory_space<vmem>>
      %dma_start3A_133 = tpu.memref_squeeze %dma_start3A_132 : memref<1x128x128xf32, #tpu.memory_space<vmem>> -> memref<128x128xf32, #tpu.memory_space<vmem>>
      %dma_start3A_134 = arith.constant 0 : i32
      %dma_start3A_135 = arith.constant 0 : i32
      %dma_start3A_136 = tpu.memref_slice %arg7[%arg1, %dma_start3A_128, %dma_start3A_134, %dma_start3A_135] : memref<16x2x128x128xf32, #tpu.memory_space<vmem_shared>> -> memref<1x1x128x128xf32, #tpu.memory_space<vmem_shared>>
      %dma_start3A_137 = tpu.memref_squeeze %dma_start3A_136 : memref<1x1x128x128xf32, #tpu.memory_space<vmem_shared>> -> memref<128x128xf32, #tpu.memory_space<vmem_shared>>
      %dma_start3A_138 = tpu.memref_slice %arg9[%dma_start3A_129] : memref<2x!tpu.dma_semaphore, #tpu.memory_space<semaphore_mem>> -> memref<1x!tpu.dma_semaphore, #tpu.memory_space<semaphore_mem>>
      %dma_start3A_139 = tpu.memref_squeeze %dma_start3A_138 : memref<1x!tpu.dma_semaphore, #tpu.memory_space<semaphore_mem>> -> memref<!tpu.dma_semaphore, #tpu.memory_space<semaphore_mem>>
      %dma_start3A_140 = arith.constant 0 : i32
      %dma_start3A_141 = arith.constant 0 : i32
      %dma_start3A_142 = tpu.memref_slice %arg7[%arg1, %dma_start3A_128, %dma_start3A_140, %dma_start3A_141] : memref<16x2x128x128xf32, #tpu.memory_space<vmem_shared>> -> memref<1x1x128x128xf32, #tpu.memory_space<vmem_shared>>
      %dma_start3A_143 = tpu.memref_squeeze %dma_start3A_142 : memref<1x1x128x128xf32, #tpu.memory_space<vmem_shared>> -> memref<128x128xf32, #tpu.memory_space<vmem_shared>>
      %dma_start3A_144 = arith.constant 0 : i32
      %dma_start3A_145 = arith.constant 0 : i32
      %dma_start3A_146 = tpu.memref_slice %arg6[%dma_start3A_127, %dma_start3A_144, %dma_start3A_145] : memref<4x128x128xf32, #tpu.memory_space<vmem>> -> memref<1x128x128xf32, #tpu.memory_space<vmem>>
      %dma_start3A_147 = tpu.memref_squeeze %dma_start3A_146 : memref<1x128x128xf32, #tpu.memory_space<vmem>> -> memref<128x128xf32, #tpu.memory_space<vmem>>
      tpu.enqueue_dma source(%dma_start3A_147 : memref<128x128xf32, #tpu.memory_space<vmem>>) target(%dma_start3A_143 : memref<128x128xf32, #tpu.memory_space<vmem_shared>>) target_semaphore(%dma_start3A_139 : memref<!tpu.dma_semaphore, #tpu.memory_space<semaphore_mem>>)
      %ge3A_148 = arith.constant 1 : i32
      %ge3A_149 = arith.cmpi sge, %add3A_109, %ge3A_148 : i32
      %convert_element_type3A_150 = arith.extui %ge3A_149 : i1 to i32
      %cond3A_151 = arith.constant 0 : i32
      %cond3A_152 = arith.cmpi ne, %convert_element_type3A_150, %cond3A_151 : i32
      scf.if %cond3A_152 {
        %dma_wait3A_324 = arith.constant 0 : i32
        %dma_wait3A_325 = arith.constant 1 : i32
        %dma_wait3A_326 = arith.constant 1 : i32
        %dma_wait3A_327 = arith.constant 0 : i32
        %dma_wait3A_328 = arith.constant 0 : i32
        %dma_wait3A_329 = tpu.memref_slice %arg6[%dma_wait3A_324, %dma_wait3A_327, %dma_wait3A_328] : memref<4x128x128xf32, #tpu.memory_space<vmem>> -> memref<1x128x128xf32, #tpu.memory_space<vmem>>
        %dma_wait3A_330 = tpu.memref_squeeze %dma_wait3A_329 : memref<1x128x128xf32, #tpu.memory_space<vmem>> -> memref<128x128xf32, #tpu.memory_space<vmem>>
        %dma_wait3A_331 = arith.constant 0 : i32
        %dma_wait3A_332 = arith.constant 0 : i32
        %dma_wait3A_333 = tpu.memref_slice %arg7[%arg1, %dma_wait3A_325, %dma_wait3A_331, %dma_wait3A_332] : memref<16x2x128x128xf32, #tpu.memory_space<vmem_shared>> -> memref<1x1x128x128xf32, #tpu.memory_space<vmem_shared>>
        %dma_wait3A_334 = tpu.memref_squeeze %dma_wait3A_333 : memref<1x1x128x128xf32, #tpu.memory_space<vmem_shared>> -> memref<128x128xf32, #tpu.memory_space<vmem_shared>>
        %dma_wait3A_335 = tpu.memref_slice %arg9[%dma_wait3A_326] : memref<2x!tpu.dma_semaphore, #tpu.memory_space<semaphore_mem>> -> memref<1x!tpu.dma_semaphore, #tpu.memory_space<semaphore_mem>>
        %dma_wait3A_336 = tpu.memref_squeeze %dma_wait3A_335 : memref<1x!tpu.dma_semaphore, #tpu.memory_space<semaphore_mem>> -> memref<!tpu.dma_semaphore, #tpu.memory_space<semaphore_mem>>
        %dma_wait3A_337 = arith.constant 0 : i32
        %dma_wait3A_338 = arith.constant 0 : i32
        %dma_wait3A_339 = tpu.memref_slice %arg7[%arg1, %dma_wait3A_325, %dma_wait3A_337, %dma_wait3A_338] : memref<16x2x128x128xf32, #tpu.memory_space<vmem_shared>> -> memref<1x1x128x128xf32, #tpu.memory_space<vmem_shared>>
        %dma_wait3A_340 = tpu.memref_squeeze %dma_wait3A_339 : memref<1x1x128x128xf32, #tpu.memory_space<vmem_shared>> -> memref<128x128xf32, #tpu.memory_space<vmem_shared>>
        %dma_wait3A_341 = arith.constant 0 : i32
        %dma_wait3A_342 = arith.constant 0 : i32
        %dma_wait3A_343 = tpu.memref_slice %arg6[%dma_wait3A_324, %dma_wait3A_341, %dma_wait3A_342] : memref<4x128x128xf32, #tpu.memory_space<vmem>> -> memref<1x128x128xf32, #tpu.memory_space<vmem>>
        %dma_wait3A_344 = tpu.memref_squeeze %dma_wait3A_343 : memref<1x128x128xf32, #tpu.memory_space<vmem>> -> memref<128x128xf32, #tpu.memory_space<vmem>>
        tpu.wait_dma2 semaphore(%dma_wait3A_336 : memref<!tpu.dma_semaphore, #tpu.memory_space<semaphore_mem>>) src(%dma_wait3A_344 : memref<128x128xf32, #tpu.memory_space<vmem>>) dst(%dma_wait3A_340 : memref<128x128xf32, #tpu.memory_space<vmem_shared>>)
        %sub3A = arith.constant 1 : i32
        %sub3A_345 = arith.subi %add3A_109, %sub3A : i32
        %mul3A_346 = arith.constant 128 : i32
        %mul3A_347 = arith.muli %sub3A_345, %mul3A_346 : i32
        %add3A_348 = arith.addi %mul3A_2, %mul3A_347 : i32
        %dma_start3A_349 = arith.constant 1 : i32
        %dma_start3A_350 = arith.constant 1 : i32
        %dma_start3A_351 = tpu.memref_slice %arg10[%dma_start3A_350] : memref<2x!tpu.dma_semaphore, #tpu.memory_space<semaphore_mem>> -> memref<1x!tpu.dma_semaphore, #tpu.memory_space<semaphore_mem>>
        %dma_start3A_352 = tpu.memref_squeeze %dma_start3A_351 : memref<1x!tpu.dma_semaphore, #tpu.memory_space<semaphore_mem>> -> memref<!tpu.dma_semaphore, #tpu.memory_space<semaphore_mem>>
        %dma_start3A_353 = arith.constant 0 : i32
        %dma_start3A_354 = tpu.memref_slice %arg4[%add3A_348, %dma_start3A_353] : memref<819200x128xf32, #tpu.memory_space<hbm>> -> memref<128x128xf32, #tpu.memory_space<hbm>>
        %dma_start3A_355 = arith.constant 0 : i32
        %dma_start3A_356 = arith.constant 0 : i32
        %dma_start3A_357 = tpu.memref_slice %arg7[%arg1, %dma_start3A_349, %dma_start3A_355, %dma_start3A_356] : memref<16x2x128x128xf32, #tpu.memory_space<vmem_shared>> -> memref<1x1x128x128xf32, #tpu.memory_space<vmem_shared>>
        %dma_start3A_358 = tpu.memref_squeeze %dma_start3A_357 : memref<1x1x128x128xf32, #tpu.memory_space<vmem_shared>> -> memref<128x128xf32, #tpu.memory_space<vmem_shared>>
        tpu.enqueue_dma source(%dma_start3A_358 : memref<128x128xf32, #tpu.memory_space<vmem_shared>>) target(%dma_start3A_354 : memref<128x128xf32, #tpu.memory_space<hbm>>) target_semaphore(%dma_start3A_352 : memref<!tpu.dma_semaphore, #tpu.memory_space<semaphore_mem>>)
      } else {
      }
      %add3A_153 = arith.constant 3 : i32
      %add3A_154 = arith.addi %add3A_109, %add3A_153 : i32
      %lt3A = arith.constant 200 : i32
      %lt3A_155 = arith.cmpi slt, %add3A_154, %lt3A : i32
      %convert_element_type3A_156 = arith.extui %lt3A_155 : i1 to i32
      %cond3A_157 = arith.constant 0 : i32
      %cond3A_158 = arith.cmpi ne, %convert_element_type3A_156, %cond3A_157 : i32
      scf.if %cond3A_158 {
        %add3A_324 = arith.constant 3 : i32
        %add3A_325 = arith.addi %add3A_109, %add3A_324 : i32
        %dma_start3A_326 = arith.constant 3 : i32
        %dma_start3A_327 = arith.constant 3 : i32
        %dma_start3A_328 = arith.constant 0 : i32
        %dma_start3A_329 = arith.constant 0 : i32
        %dma_start3A_330 = tpu.memref_slice %arg6[%dma_start3A_326, %dma_start3A_328, %dma_start3A_329] : memref<4x128x128xf32, #tpu.memory_space<vmem>> -> memref<1x128x128xf32, #tpu.memory_space<vmem>>
        %dma_start3A_331 = tpu.memref_squeeze %dma_start3A_330 : memref<1x128x128xf32, #tpu.memory_space<vmem>> -> memref<128x128xf32, #tpu.memory_space<vmem>>
        %dma_start3A_332 = arith.constant 0 : i32
        %dma_start3A_333 = tpu.memref_slice %arg5[%add3A_325, %dma_start3A_332] : memref<200x128xi32, #tpu.memory_space<vmem>> -> memref<1x128xi32, #tpu.memory_space<vmem>>
        %dma_start3A_334 = tpu.memref_squeeze %dma_start3A_333 : memref<1x128xi32, #tpu.memory_space<vmem>> -> memref<128xi32, #tpu.memory_space<vmem>>
        %dma_start3A_335 = arith.constant 0 : i32
        %dma_start3A_336 = arith.constant 0 : i32
        %dma_start3A_337 = tpu.memref_slice %arg2[%dma_start3A_335, %dma_start3A_336] : memref<100000x128xf32, #tpu.memory_space<hbm>> -> memref<100000x128xf32, #tpu.memory_space<hbm>>
        %dma_start3A_338 = tpu.memref_slice %arg8[%dma_start3A_327] : memref<4x!tpu.dma_semaphore, #tpu.memory_space<semaphore_mem>> -> memref<1x!tpu.dma_semaphore, #tpu.memory_space<semaphore_mem>>
        %dma_start3A_339 = tpu.memref_squeeze %dma_start3A_338 : memref<1x!tpu.dma_semaphore, #tpu.memory_space<semaphore_mem>> -> memref<!tpu.dma_semaphore, #tpu.memory_space<semaphore_mem>>
        tpu.enqueue_indirect_dma source(%dma_start3A_337 : memref<100000x128xf32, #tpu.memory_space<hbm>>) target(%dma_start3A_331 : memref<128x128xf32, #tpu.memory_space<vmem>>) offsets(%dma_start3A_334 : memref<128xi32, #tpu.memory_space<vmem>>) semaphore(%dma_start3A_339 : memref<!tpu.dma_semaphore, #tpu.memory_space<semaphore_mem>>)
      } else {
      }
      %add3A_159 = arith.constant 1 : i32
      %add3A_160 = arith.addi %add3A_107, %add3A_159 : i32
      %ge3A_161 = arith.constant 2 : i32
      %ge3A_162 = arith.cmpi sge, %add3A_160, %ge3A_161 : i32
      %convert_element_type3A_163 = arith.extui %ge3A_162 : i1 to i32
      %cond3A_164 = arith.constant 0 : i32
      %cond3A_165 = arith.cmpi ne, %convert_element_type3A_163, %cond3A_164 : i32
      scf.if %cond3A_165 {
        %dma_wait3A_324 = arith.constant 1 : i32
        %dma_wait3A_325 = arith.constant 1 : i32
        %dma_wait3A_326 = tpu.memref_slice %arg10[%dma_wait3A_325] : memref<2x!tpu.dma_semaphore, #tpu.memory_space<semaphore_mem>> -> memref<1x!tpu.dma_semaphore, #tpu.memory_space<semaphore_mem>>
        %dma_wait3A_327 = tpu.memref_squeeze %dma_wait3A_326 : memref<1x!tpu.dma_semaphore, #tpu.memory_space<semaphore_mem>> -> memref<!tpu.dma_semaphore, #tpu.memory_space<semaphore_mem>>
        %dma_wait3A_328 = arith.constant 0 : i32
        %dma_wait3A_329 = tpu.memref_slice %arg4[%mul3A_2, %dma_wait3A_328] : memref<819200x128xf32, #tpu.memory_space<hbm>> -> memref<128x128xf32, #tpu.memory_space<hbm>>
        %dma_wait3A_330 = arith.constant 0 : i32
        %dma_wait3A_331 = arith.constant 0 : i32
        %dma_wait3A_332 = tpu.memref_slice %arg7[%arg1, %dma_wait3A_324, %dma_wait3A_330, %dma_wait3A_331] : memref<16x2x128x128xf32, #tpu.memory_space<vmem_shared>> -> memref<1x1x128x128xf32, #tpu.memory_space<vmem_shared>>
        %dma_wait3A_333 = tpu.memref_squeeze %dma_wait3A_332 : memref<1x1x128x128xf32, #tpu.memory_space<vmem_shared>> -> memref<128x128xf32, #tpu.memory_space<vmem_shared>>
        tpu.wait_dma2 semaphore(%dma_wait3A_327 : memref<!tpu.dma_semaphore, #tpu.memory_space<semaphore_mem>>) src(%dma_wait3A_333 : memref<128x128xf32, #tpu.memory_space<vmem_shared>>) dst(%dma_wait3A_329 : memref<128x128xf32, #tpu.memory_space<hbm>>)
      } else {
      }
      %dma_wait3A_166 = arith.constant 0 : i32
      %dma_wait3A_167 = arith.constant 1 : i32
      %dma_wait3A_168 = arith.constant 1 : i32
      %dma_wait3A_169 = arith.constant 0 : i32
      %dma_wait3A_170 = arith.constant 0 : i32
      %dma_wait3A_171 = tpu.memref_slice %arg6[%dma_wait3A_167, %dma_wait3A_169, %dma_wait3A_170] : memref<4x128x128xf32, #tpu.memory_space<vmem>> -> memref<1x128x128xf32, #tpu.memory_space<vmem>>
      %dma_wait3A_172 = tpu.memref_squeeze %dma_wait3A_171 : memref<1x128x128xf32, #tpu.memory_space<vmem>> -> memref<128x128xf32, #tpu.memory_space<vmem>>
      %dma_wait3A_173 = arith.constant 0 : i32
      %dma_wait3A_174 = tpu.memref_slice %arg5[%dma_wait3A_166, %dma_wait3A_173] : memref<200x128xi32, #tpu.memory_space<vmem>> -> memref<1x128xi32, #tpu.memory_space<vmem>>
      %dma_wait3A_175 = tpu.memref_squeeze %dma_wait3A_174 : memref<1x128xi32, #tpu.memory_space<vmem>> -> memref<128xi32, #tpu.memory_space<vmem>>
      %dma_wait3A_176 = arith.constant 0 : i32
      %dma_wait3A_177 = arith.constant 0 : i32
      %dma_wait3A_178 = tpu.memref_slice %arg2[%dma_wait3A_176, %dma_wait3A_177] : memref<100000x128xf32, #tpu.memory_space<hbm>> -> memref<100000x128xf32, #tpu.memory_space<hbm>>
      %dma_wait3A_179 = tpu.memref_slice %arg8[%dma_wait3A_168] : memref<4x!tpu.dma_semaphore, #tpu.memory_space<semaphore_mem>> -> memref<1x!tpu.dma_semaphore, #tpu.memory_space<semaphore_mem>>
      %dma_wait3A_180 = tpu.memref_squeeze %dma_wait3A_179 : memref<1x!tpu.dma_semaphore, #tpu.memory_space<semaphore_mem>> -> memref<!tpu.dma_semaphore, #tpu.memory_space<semaphore_mem>>
      tpu.wait_indirect_dma semaphore(%dma_wait3A_180 : memref<!tpu.dma_semaphore, #tpu.memory_space<semaphore_mem>>) src(%dma_wait3A_178 : memref<100000x128xf32, #tpu.memory_space<hbm>>) dst(%dma_wait3A_172 : memref<128x128xf32, #tpu.memory_space<vmem>>)
      %dma_start3A_181 = arith.constant 1 : i32
      %dma_start3A_182 = arith.constant 1 : i32
      %dma_start3A_183 = arith.constant 1 : i32
      %dma_start3A_184 = arith.constant 0 : i32
      %dma_start3A_185 = arith.constant 0 : i32
      %dma_start3A_186 = tpu.memref_slice %arg6[%dma_start3A_181, %dma_start3A_184, %dma_start3A_185] : memref<4x128x128xf32, #tpu.memory_space<vmem>> -> memref<1x128x128xf32, #tpu.memory_space<vmem>>
      %dma_start3A_187 = tpu.memref_squeeze %dma_start3A_186 : memref<1x128x128xf32, #tpu.memory_space<vmem>> -> memref<128x128xf32, #tpu.memory_space<vmem>>
      %dma_start3A_188 = arith.constant 0 : i32
      %dma_start3A_189 = arith.constant 0 : i32
      %dma_start3A_190 = tpu.memref_slice %arg7[%arg1, %dma_start3A_182, %dma_start3A_188, %dma_start3A_189] : memref<16x2x128x128xf32, #tpu.memory_space<vmem_shared>> -> memref<1x1x128x128xf32, #tpu.memory_space<vmem_shared>>
      %dma_start3A_191 = tpu.memref_squeeze %dma_start3A_190 : memref<1x1x128x128xf32, #tpu.memory_space<vmem_shared>> -> memref<128x128xf32, #tpu.memory_space<vmem_shared>>
      %dma_start3A_192 = tpu.memref_slice %arg9[%dma_start3A_183] : memref<2x!tpu.dma_semaphore, #tpu.memory_space<semaphore_mem>> -> memref<1x!tpu.dma_semaphore, #tpu.memory_space<semaphore_mem>>
      %dma_start3A_193 = tpu.memref_squeeze %dma_start3A_192 : memref<1x!tpu.dma_semaphore, #tpu.memory_space<semaphore_mem>> -> memref<!tpu.dma_semaphore, #tpu.memory_space<semaphore_mem>>
      %dma_start3A_194 = arith.constant 0 : i32
      %dma_start3A_195 = arith.constant 0 : i32
      %dma_start3A_196 = tpu.memref_slice %arg7[%arg1, %dma_start3A_182, %dma_start3A_194, %dma_start3A_195] : memref<16x2x128x128xf32, #tpu.memory_space<vmem_shared>> -> memref<1x1x128x128xf32, #tpu.memory_space<vmem_shared>>
      %dma_start3A_197 = tpu.memref_squeeze %dma_start3A_196 : memref<1x1x128x128xf32, #tpu.memory_space<vmem_shared>> -> memref<128x128xf32, #tpu.memory_space<vmem_shared>>
      %dma_start3A_198 = arith.constant 0 : i32
      %dma_start3A_199 = arith.constant 0 : i32
      %dma_start3A_200 = tpu.memref_slice %arg6[%dma_start3A_181, %dma_start3A_198, %dma_start3A_199] : memref<4x128x128xf32, #tpu.memory_space<vmem>> -> memref<1x128x128xf32, #tpu.memory_space<vmem>>
      %dma_start3A_201 = tpu.memref_squeeze %dma_start3A_200 : memref<1x128x128xf32, #tpu.memory_space<vmem>> -> memref<128x128xf32, #tpu.memory_space<vmem>>
      tpu.enqueue_dma source(%dma_start3A_201 : memref<128x128xf32, #tpu.memory_space<vmem>>) target(%dma_start3A_197 : memref<128x128xf32, #tpu.memory_space<vmem_shared>>) target_semaphore(%dma_start3A_193 : memref<!tpu.dma_semaphore, #tpu.memory_space<semaphore_mem>>)
      %ge3A_202 = arith.constant 1 : i32
      %ge3A_203 = arith.cmpi sge, %add3A_160, %ge3A_202 : i32
      %convert_element_type3A_204 = arith.extui %ge3A_203 : i1 to i32
      %cond3A_205 = arith.constant 0 : i32
      %cond3A_206 = arith.cmpi ne, %convert_element_type3A_204, %cond3A_205 : i32
      scf.if %cond3A_206 {
        %dma_wait3A_324 = arith.constant 0 : i32
        %dma_wait3A_325 = arith.constant 0 : i32
        %dma_wait3A_326 = arith.constant 0 : i32
        %dma_wait3A_327 = arith.constant 0 : i32
        %dma_wait3A_328 = arith.constant 0 : i32
        %dma_wait3A_329 = tpu.memref_slice %arg6[%dma_wait3A_324, %dma_wait3A_327, %dma_wait3A_328] : memref<4x128x128xf32, #tpu.memory_space<vmem>> -> memref<1x128x128xf32, #tpu.memory_space<vmem>>
        %dma_wait3A_330 = tpu.memref_squeeze %dma_wait3A_329 : memref<1x128x128xf32, #tpu.memory_space<vmem>> -> memref<128x128xf32, #tpu.memory_space<vmem>>
        %dma_wait3A_331 = arith.constant 0 : i32
        %dma_wait3A_332 = arith.constant 0 : i32
        %dma_wait3A_333 = tpu.memref_slice %arg7[%arg1, %dma_wait3A_325, %dma_wait3A_331, %dma_wait3A_332] : memref<16x2x128x128xf32, #tpu.memory_space<vmem_shared>> -> memref<1x1x128x128xf32, #tpu.memory_space<vmem_shared>>
        %dma_wait3A_334 = tpu.memref_squeeze %dma_wait3A_333 : memref<1x1x128x128xf32, #tpu.memory_space<vmem_shared>> -> memref<128x128xf32, #tpu.memory_space<vmem_shared>>
        %dma_wait3A_335 = tpu.memref_slice %arg9[%dma_wait3A_326] : memref<2x!tpu.dma_semaphore, #tpu.memory_space<semaphore_mem>> -> memref<1x!tpu.dma_semaphore, #tpu.memory_space<semaphore_mem>>
        %dma_wait3A_336 = tpu.memref_squeeze %dma_wait3A_335 : memref<1x!tpu.dma_semaphore, #tpu.memory_space<semaphore_mem>> -> memref<!tpu.dma_semaphore, #tpu.memory_space<semaphore_mem>>
        %dma_wait3A_337 = arith.constant 0 : i32
        %dma_wait3A_338 = arith.constant 0 : i32
        %dma_wait3A_339 = tpu.memref_slice %arg7[%arg1, %dma_wait3A_325, %dma_wait3A_337, %dma_wait3A_338] : memref<16x2x128x128xf32, #tpu.memory_space<vmem_shared>> -> memref<1x1x128x128xf32, #tpu.memory_space<vmem_shared>>
        %dma_wait3A_340 = tpu.memref_squeeze %dma_wait3A_339 : memref<1x1x128x128xf32, #tpu.memory_space<vmem_shared>> -> memref<128x128xf32, #tpu.memory_space<vmem_shared>>
        %dma_wait3A_341 = arith.constant 0 : i32
        %dma_wait3A_342 = arith.constant 0 : i32
        %dma_wait3A_343 = tpu.memref_slice %arg6[%dma_wait3A_324, %dma_wait3A_341, %dma_wait3A_342] : memref<4x128x128xf32, #tpu.memory_space<vmem>> -> memref<1x128x128xf32, #tpu.memory_space<vmem>>
        %dma_wait3A_344 = tpu.memref_squeeze %dma_wait3A_343 : memref<1x128x128xf32, #tpu.memory_space<vmem>> -> memref<128x128xf32, #tpu.memory_space<vmem>>
        tpu.wait_dma2 semaphore(%dma_wait3A_336 : memref<!tpu.dma_semaphore, #tpu.memory_space<semaphore_mem>>) src(%dma_wait3A_344 : memref<128x128xf32, #tpu.memory_space<vmem>>) dst(%dma_wait3A_340 : memref<128x128xf32, #tpu.memory_space<vmem_shared>>)
        %sub3A = arith.constant 1 : i32
        %sub3A_345 = arith.subi %add3A_160, %sub3A : i32
        %mul3A_346 = arith.constant 128 : i32
        %mul3A_347 = arith.muli %sub3A_345, %mul3A_346 : i32
        %add3A_348 = arith.addi %mul3A_2, %mul3A_347 : i32
        %dma_start3A_349 = arith.constant 0 : i32
        %dma_start3A_350 = arith.constant 0 : i32
        %dma_start3A_351 = tpu.memref_slice %arg10[%dma_start3A_350] : memref<2x!tpu.dma_semaphore, #tpu.memory_space<semaphore_mem>> -> memref<1x!tpu.dma_semaphore, #tpu.memory_space<semaphore_mem>>
        %dma_start3A_352 = tpu.memref_squeeze %dma_start3A_351 : memref<1x!tpu.dma_semaphore, #tpu.memory_space<semaphore_mem>> -> memref<!tpu.dma_semaphore, #tpu.memory_space<semaphore_mem>>
        %dma_start3A_353 = arith.constant 0 : i32
        %dma_start3A_354 = tpu.memref_slice %arg4[%add3A_348, %dma_start3A_353] : memref<819200x128xf32, #tpu.memory_space<hbm>> -> memref<128x128xf32, #tpu.memory_space<hbm>>
        %dma_start3A_355 = arith.constant 0 : i32
        %dma_start3A_356 = arith.constant 0 : i32
        %dma_start3A_357 = tpu.memref_slice %arg7[%arg1, %dma_start3A_349, %dma_start3A_355, %dma_start3A_356] : memref<16x2x128x128xf32, #tpu.memory_space<vmem_shared>> -> memref<1x1x128x128xf32, #tpu.memory_space<vmem_shared>>
        %dma_start3A_358 = tpu.memref_squeeze %dma_start3A_357 : memref<1x1x128x128xf32, #tpu.memory_space<vmem_shared>> -> memref<128x128xf32, #tpu.memory_space<vmem_shared>>
        tpu.enqueue_dma source(%dma_start3A_358 : memref<128x128xf32, #tpu.memory_space<vmem_shared>>) target(%dma_start3A_354 : memref<128x128xf32, #tpu.memory_space<hbm>>) target_semaphore(%dma_start3A_352 : memref<!tpu.dma_semaphore, #tpu.memory_space<semaphore_mem>>)
      } else {
      }
      %add3A_207 = arith.constant 3 : i32
      %add3A_208 = arith.addi %add3A_160, %add3A_207 : i32
      %lt3A_209 = arith.constant 200 : i32
      %lt3A_210 = arith.cmpi slt, %add3A_208, %lt3A_209 : i32
      %convert_element_type3A_211 = arith.extui %lt3A_210 : i1 to i32
      %cond3A_212 = arith.constant 0 : i32
      %cond3A_213 = arith.cmpi ne, %convert_element_type3A_211, %cond3A_212 : i32
      scf.if %cond3A_213 {
        %add3A_324 = arith.constant 3 : i32
        %add3A_325 = arith.addi %add3A_160, %add3A_324 : i32
        %dma_start3A_326 = arith.constant 0 : i32
        %dma_start3A_327 = arith.constant 0 : i32
        %dma_start3A_328 = arith.constant 0 : i32
        %dma_start3A_329 = arith.constant 0 : i32
        %dma_start3A_330 = tpu.memref_slice %arg6[%dma_start3A_326, %dma_start3A_328, %dma_start3A_329] : memref<4x128x128xf32, #tpu.memory_space<vmem>> -> memref<1x128x128xf32, #tpu.memory_space<vmem>>
        %dma_start3A_331 = tpu.memref_squeeze %dma_start3A_330 : memref<1x128x128xf32, #tpu.memory_space<vmem>> -> memref<128x128xf32, #tpu.memory_space<vmem>>
        %dma_start3A_332 = arith.constant 0 : i32
        %dma_start3A_333 = tpu.memref_slice %arg5[%add3A_325, %dma_start3A_332] : memref<200x128xi32, #tpu.memory_space<vmem>> -> memref<1x128xi32, #tpu.memory_space<vmem>>
        %dma_start3A_334 = tpu.memref_squeeze %dma_start3A_333 : memref<1x128xi32, #tpu.memory_space<vmem>> -> memref<128xi32, #tpu.memory_space<vmem>>
        %dma_start3A_335 = arith.constant 0 : i32
        %dma_start3A_336 = arith.constant 0 : i32
        %dma_start3A_337 = tpu.memref_slice %arg2[%dma_start3A_335, %dma_start3A_336] : memref<100000x128xf32, #tpu.memory_space<hbm>> -> memref<100000x128xf32, #tpu.memory_space<hbm>>
        %dma_start3A_338 = tpu.memref_slice %arg8[%dma_start3A_327] : memref<4x!tpu.dma_semaphore, #tpu.memory_space<semaphore_mem>> -> memref<1x!tpu.dma_semaphore, #tpu.memory_space<semaphore_mem>>
        %dma_start3A_339 = tpu.memref_squeeze %dma_start3A_338 : memref<1x!tpu.dma_semaphore, #tpu.memory_space<semaphore_mem>> -> memref<!tpu.dma_semaphore, #tpu.memory_space<semaphore_mem>>
        tpu.enqueue_indirect_dma source(%dma_start3A_337 : memref<100000x128xf32, #tpu.memory_space<hbm>>) target(%dma_start3A_331 : memref<128x128xf32, #tpu.memory_space<vmem>>) offsets(%dma_start3A_334 : memref<128xi32, #tpu.memory_space<vmem>>) semaphore(%dma_start3A_339 : memref<!tpu.dma_semaphore, #tpu.memory_space<semaphore_mem>>)
      } else {
      }
      %add3A_214 = arith.constant 2 : i32
      %add3A_215 = arith.addi %add3A_107, %add3A_214 : i32
      %ge3A_216 = arith.constant 2 : i32
      %ge3A_217 = arith.cmpi sge, %add3A_215, %ge3A_216 : i32
      %convert_element_type3A_218 = arith.extui %ge3A_217 : i1 to i32
      %cond3A_219 = arith.constant 0 : i32
      %cond3A_220 = arith.cmpi ne, %convert_element_type3A_218, %cond3A_219 : i32
      scf.if %cond3A_220 {
        %dma_wait3A_324 = arith.constant 0 : i32
        %dma_wait3A_325 = arith.constant 0 : i32
        %dma_wait3A_326 = tpu.memref_slice %arg10[%dma_wait3A_325] : memref<2x!tpu.dma_semaphore, #tpu.memory_space<semaphore_mem>> -> memref<1x!tpu.dma_semaphore, #tpu.memory_space<semaphore_mem>>
        %dma_wait3A_327 = tpu.memref_squeeze %dma_wait3A_326 : memref<1x!tpu.dma_semaphore, #tpu.memory_space<semaphore_mem>> -> memref<!tpu.dma_semaphore, #tpu.memory_space<semaphore_mem>>
        %dma_wait3A_328 = arith.constant 0 : i32
        %dma_wait3A_329 = tpu.memref_slice %arg4[%mul3A_2, %dma_wait3A_328] : memref<819200x128xf32, #tpu.memory_space<hbm>> -> memref<128x128xf32, #tpu.memory_space<hbm>>
        %dma_wait3A_330 = arith.constant 0 : i32
        %dma_wait3A_331 = arith.constant 0 : i32
        %dma_wait3A_332 = tpu.memref_slice %arg7[%arg1, %dma_wait3A_324, %dma_wait3A_330, %dma_wait3A_331] : memref<16x2x128x128xf32, #tpu.memory_space<vmem_shared>> -> memref<1x1x128x128xf32, #tpu.memory_space<vmem_shared>>
        %dma_wait3A_333 = tpu.memref_squeeze %dma_wait3A_332 : memref<1x1x128x128xf32, #tpu.memory_space<vmem_shared>> -> memref<128x128xf32, #tpu.memory_space<vmem_shared>>
        tpu.wait_dma2 semaphore(%dma_wait3A_327 : memref<!tpu.dma_semaphore, #tpu.memory_space<semaphore_mem>>) src(%dma_wait3A_333 : memref<128x128xf32, #tpu.memory_space<vmem_shared>>) dst(%dma_wait3A_329 : memref<128x128xf32, #tpu.memory_space<hbm>>)
      } else {
      }
      %dma_wait3A_221 = arith.constant 0 : i32
      %dma_wait3A_222 = arith.constant 2 : i32
      %dma_wait3A_223 = arith.constant 2 : i32
      %dma_wait3A_224 = arith.constant 0 : i32
      %dma_wait3A_225 = arith.constant 0 : i32
      %dma_wait3A_226 = tpu.memref_slice %arg6[%dma_wait3A_222, %dma_wait3A_224, %dma_wait3A_225] : memref<4x128x128xf32, #tpu.memory_space<vmem>> -> memref<1x128x128xf32, #tpu.memory_space<vmem>>
      %dma_wait3A_227 = tpu.memref_squeeze %dma_wait3A_226 : memref<1x128x128xf32, #tpu.memory_space<vmem>> -> memref<128x128xf32, #tpu.memory_space<vmem>>
      %dma_wait3A_228 = arith.constant 0 : i32
      %dma_wait3A_229 = tpu.memref_slice %arg5[%dma_wait3A_221, %dma_wait3A_228] : memref<200x128xi32, #tpu.memory_space<vmem>> -> memref<1x128xi32, #tpu.memory_space<vmem>>
      %dma_wait3A_230 = tpu.memref_squeeze %dma_wait3A_229 : memref<1x128xi32, #tpu.memory_space<vmem>> -> memref<128xi32, #tpu.memory_space<vmem>>
      %dma_wait3A_231 = arith.constant 0 : i32
      %dma_wait3A_232 = arith.constant 0 : i32
      %dma_wait3A_233 = tpu.memref_slice %arg2[%dma_wait3A_231, %dma_wait3A_232] : memref<100000x128xf32, #tpu.memory_space<hbm>> -> memref<100000x128xf32, #tpu.memory_space<hbm>>
      %dma_wait3A_234 = tpu.memref_slice %arg8[%dma_wait3A_223] : memref<4x!tpu.dma_semaphore, #tpu.memory_space<semaphore_mem>> -> memref<1x!tpu.dma_semaphore, #tpu.memory_space<semaphore_mem>>
      %dma_wait3A_235 = tpu.memref_squeeze %dma_wait3A_234 : memref<1x!tpu.dma_semaphore, #tpu.memory_space<semaphore_mem>> -> memref<!tpu.dma_semaphore, #tpu.memory_space<semaphore_mem>>
      tpu.wait_indirect_dma semaphore(%dma_wait3A_235 : memref<!tpu.dma_semaphore, #tpu.memory_space<semaphore_mem>>) src(%dma_wait3A_233 : memref<100000x128xf32, #tpu.memory_space<hbm>>) dst(%dma_wait3A_227 : memref<128x128xf32, #tpu.memory_space<vmem>>)
      %dma_start3A_236 = arith.constant 2 : i32
      %dma_start3A_237 = arith.constant 0 : i32
      %dma_start3A_238 = arith.constant 0 : i32
      %dma_start3A_239 = arith.constant 0 : i32
      %dma_start3A_240 = arith.constant 0 : i32
      %dma_start3A_241 = tpu.memref_slice %arg6[%dma_start3A_236, %dma_start3A_239, %dma_start3A_240] : memref<4x128x128xf32, #tpu.memory_space<vmem>> -> memref<1x128x128xf32, #tpu.memory_space<vmem>>
      %dma_start3A_242 = tpu.memref_squeeze %dma_start3A_241 : memref<1x128x128xf32, #tpu.memory_space<vmem>> -> memref<128x128xf32, #tpu.memory_space<vmem>>
      %dma_start3A_243 = arith.constant 0 : i32
      %dma_start3A_244 = arith.constant 0 : i32
      %dma_start3A_245 = tpu.memref_slice %arg7[%arg1, %dma_start3A_237, %dma_start3A_243, %dma_start3A_244] : memref<16x2x128x128xf32, #tpu.memory_space<vmem_shared>> -> memref<1x1x128x128xf32, #tpu.memory_space<vmem_shared>>
      %dma_start3A_246 = tpu.memref_squeeze %dma_start3A_245 : memref<1x1x128x128xf32, #tpu.memory_space<vmem_shared>> -> memref<128x128xf32, #tpu.memory_space<vmem_shared>>
      %dma_start3A_247 = tpu.memref_slice %arg9[%dma_start3A_238] : memref<2x!tpu.dma_semaphore, #tpu.memory_space<semaphore_mem>> -> memref<1x!tpu.dma_semaphore, #tpu.memory_space<semaphore_mem>>
      %dma_start3A_248 = tpu.memref_squeeze %dma_start3A_247 : memref<1x!tpu.dma_semaphore, #tpu.memory_space<semaphore_mem>> -> memref<!tpu.dma_semaphore, #tpu.memory_space<semaphore_mem>>
      %dma_start3A_249 = arith.constant 0 : i32
      %dma_start3A_250 = arith.constant 0 : i32
      %dma_start3A_251 = tpu.memref_slice %arg7[%arg1, %dma_start3A_237, %dma_start3A_249, %dma_start3A_250] : memref<16x2x128x128xf32, #tpu.memory_space<vmem_shared>> -> memref<1x1x128x128xf32, #tpu.memory_space<vmem_shared>>
      %dma_start3A_252 = tpu.memref_squeeze %dma_start3A_251 : memref<1x1x128x128xf32, #tpu.memory_space<vmem_shared>> -> memref<128x128xf32, #tpu.memory_space<vmem_shared>>
      %dma_start3A_253 = arith.constant 0 : i32
      %dma_start3A_254 = arith.constant 0 : i32
      %dma_start3A_255 = tpu.memref_slice %arg6[%dma_start3A_236, %dma_start3A_253, %dma_start3A_254] : memref<4x128x128xf32, #tpu.memory_space<vmem>> -> memref<1x128x128xf32, #tpu.memory_space<vmem>>
      %dma_start3A_256 = tpu.memref_squeeze %dma_start3A_255 : memref<1x128x128xf32, #tpu.memory_space<vmem>> -> memref<128x128xf32, #tpu.memory_space<vmem>>
      tpu.enqueue_dma source(%dma_start3A_256 : memref<128x128xf32, #tpu.memory_space<vmem>>) target(%dma_start3A_252 : memref<128x128xf32, #tpu.memory_space<vmem_shared>>) target_semaphore(%dma_start3A_248 : memref<!tpu.dma_semaphore, #tpu.memory_space<semaphore_mem>>)
      %ge3A_257 = arith.constant 1 : i32
      %ge3A_258 = arith.cmpi sge, %add3A_215, %ge3A_257 : i32
      %convert_element_type3A_259 = arith.extui %ge3A_258 : i1 to i32
      %cond3A_260 = arith.constant 0 : i32
      %cond3A_261 = arith.cmpi ne, %convert_element_type3A_259, %cond3A_260 : i32
      scf.if %cond3A_261 {
        %dma_wait3A_324 = arith.constant 0 : i32
        %dma_wait3A_325 = arith.constant 1 : i32
        %dma_wait3A_326 = arith.constant 1 : i32
        %dma_wait3A_327 = arith.constant 0 : i32
        %dma_wait3A_328 = arith.constant 0 : i32
        %dma_wait3A_329 = tpu.memref_slice %arg6[%dma_wait3A_324, %dma_wait3A_327, %dma_wait3A_328] : memref<4x128x128xf32, #tpu.memory_space<vmem>> -> memref<1x128x128xf32, #tpu.memory_space<vmem>>
        %dma_wait3A_330 = tpu.memref_squeeze %dma_wait3A_329 : memref<1x128x128xf32, #tpu.memory_space<vmem>> -> memref<128x128xf32, #tpu.memory_space<vmem>>
        %dma_wait3A_331 = arith.constant 0 : i32
        %dma_wait3A_332 = arith.constant 0 : i32
        %dma_wait3A_333 = tpu.memref_slice %arg7[%arg1, %dma_wait3A_325, %dma_wait3A_331, %dma_wait3A_332] : memref<16x2x128x128xf32, #tpu.memory_space<vmem_shared>> -> memref<1x1x128x128xf32, #tpu.memory_space<vmem_shared>>
        %dma_wait3A_334 = tpu.memref_squeeze %dma_wait3A_333 : memref<1x1x128x128xf32, #tpu.memory_space<vmem_shared>> -> memref<128x128xf32, #tpu.memory_space<vmem_shared>>
        %dma_wait3A_335 = tpu.memref_slice %arg9[%dma_wait3A_326] : memref<2x!tpu.dma_semaphore, #tpu.memory_space<semaphore_mem>> -> memref<1x!tpu.dma_semaphore, #tpu.memory_space<semaphore_mem>>
        %dma_wait3A_336 = tpu.memref_squeeze %dma_wait3A_335 : memref<1x!tpu.dma_semaphore, #tpu.memory_space<semaphore_mem>> -> memref<!tpu.dma_semaphore, #tpu.memory_space<semaphore_mem>>
        %dma_wait3A_337 = arith.constant 0 : i32
        %dma_wait3A_338 = arith.constant 0 : i32
        %dma_wait3A_339 = tpu.memref_slice %arg7[%arg1, %dma_wait3A_325, %dma_wait3A_337, %dma_wait3A_338] : memref<16x2x128x128xf32, #tpu.memory_space<vmem_shared>> -> memref<1x1x128x128xf32, #tpu.memory_space<vmem_shared>>
        %dma_wait3A_340 = tpu.memref_squeeze %dma_wait3A_339 : memref<1x1x128x128xf32, #tpu.memory_space<vmem_shared>> -> memref<128x128xf32, #tpu.memory_space<vmem_shared>>
        %dma_wait3A_341 = arith.constant 0 : i32
        %dma_wait3A_342 = arith.constant 0 : i32
        %dma_wait3A_343 = tpu.memref_slice %arg6[%dma_wait3A_324, %dma_wait3A_341, %dma_wait3A_342] : memref<4x128x128xf32, #tpu.memory_space<vmem>> -> memref<1x128x128xf32, #tpu.memory_space<vmem>>
        %dma_wait3A_344 = tpu.memref_squeeze %dma_wait3A_343 : memref<1x128x128xf32, #tpu.memory_space<vmem>> -> memref<128x128xf32, #tpu.memory_space<vmem>>
        tpu.wait_dma2 semaphore(%dma_wait3A_336 : memref<!tpu.dma_semaphore, #tpu.memory_space<semaphore_mem>>) src(%dma_wait3A_344 : memref<128x128xf32, #tpu.memory_space<vmem>>) dst(%dma_wait3A_340 : memref<128x128xf32, #tpu.memory_space<vmem_shared>>)
        %sub3A = arith.constant 1 : i32
        %sub3A_345 = arith.subi %add3A_215, %sub3A : i32
        %mul3A_346 = arith.constant 128 : i32
        %mul3A_347 = arith.muli %sub3A_345, %mul3A_346 : i32
        %add3A_348 = arith.addi %mul3A_2, %mul3A_347 : i32
        %dma_start3A_349 = arith.constant 1 : i32
        %dma_start3A_350 = arith.constant 1 : i32
        %dma_start3A_351 = tpu.memref_slice %arg10[%dma_start3A_350] : memref<2x!tpu.dma_semaphore, #tpu.memory_space<semaphore_mem>> -> memref<1x!tpu.dma_semaphore, #tpu.memory_space<semaphore_mem>>
        %dma_start3A_352 = tpu.memref_squeeze %dma_start3A_351 : memref<1x!tpu.dma_semaphore, #tpu.memory_space<semaphore_mem>> -> memref<!tpu.dma_semaphore, #tpu.memory_space<semaphore_mem>>
        %dma_start3A_353 = arith.constant 0 : i32
        %dma_start3A_354 = tpu.memref_slice %arg4[%add3A_348, %dma_start3A_353] : memref<819200x128xf32, #tpu.memory_space<hbm>> -> memref<128x128xf32, #tpu.memory_space<hbm>>
        %dma_start3A_355 = arith.constant 0 : i32
        %dma_start3A_356 = arith.constant 0 : i32
        %dma_start3A_357 = tpu.memref_slice %arg7[%arg1, %dma_start3A_349, %dma_start3A_355, %dma_start3A_356] : memref<16x2x128x128xf32, #tpu.memory_space<vmem_shared>> -> memref<1x1x128x128xf32, #tpu.memory_space<vmem_shared>>
        %dma_start3A_358 = tpu.memref_squeeze %dma_start3A_357 : memref<1x1x128x128xf32, #tpu.memory_space<vmem_shared>> -> memref<128x128xf32, #tpu.memory_space<vmem_shared>>
        tpu.enqueue_dma source(%dma_start3A_358 : memref<128x128xf32, #tpu.memory_space<vmem_shared>>) target(%dma_start3A_354 : memref<128x128xf32, #tpu.memory_space<hbm>>) target_semaphore(%dma_start3A_352 : memref<!tpu.dma_semaphore, #tpu.memory_space<semaphore_mem>>)
      } else {
      }
      %add3A_262 = arith.constant 3 : i32
      %add3A_263 = arith.addi %add3A_215, %add3A_262 : i32
      %lt3A_264 = arith.constant 200 : i32
      %lt3A_265 = arith.cmpi slt, %add3A_263, %lt3A_264 : i32
      %convert_element_type3A_266 = arith.extui %lt3A_265 : i1 to i32
      %cond3A_267 = arith.constant 0 : i32
      %cond3A_268 = arith.cmpi ne, %convert_element_type3A_266, %cond3A_267 : i32
      scf.if %cond3A_268 {
        %add3A_324 = arith.constant 3 : i32
        %add3A_325 = arith.addi %add3A_215, %add3A_324 : i32
        %dma_start3A_326 = arith.constant 1 : i32
        %dma_start3A_327 = arith.constant 1 : i32
        %dma_start3A_328 = arith.constant 0 : i32
        %dma_start3A_329 = arith.constant 0 : i32
        %dma_start3A_330 = tpu.memref_slice %arg6[%dma_start3A_326, %dma_start3A_328, %dma_start3A_329] : memref<4x128x128xf32, #tpu.memory_space<vmem>> -> memref<1x128x128xf32, #tpu.memory_space<vmem>>
        %dma_start3A_331 = tpu.memref_squeeze %dma_start3A_330 : memref<1x128x128xf32, #tpu.memory_space<vmem>> -> memref<128x128xf32, #tpu.memory_space<vmem>>
        %dma_start3A_332 = arith.constant 0 : i32
        %dma_start3A_333 = tpu.memref_slice %arg5[%add3A_325, %dma_start3A_332] : memref<200x128xi32, #tpu.memory_space<vmem>> -> memref<1x128xi32, #tpu.memory_space<vmem>>
        %dma_start3A_334 = tpu.memref_squeeze %dma_start3A_333 : memref<1x128xi32, #tpu.memory_space<vmem>> -> memref<128xi32, #tpu.memory_space<vmem>>
        %dma_start3A_335 = arith.constant 0 : i32
        %dma_start3A_336 = arith.constant 0 : i32
        %dma_start3A_337 = tpu.memref_slice %arg2[%dma_start3A_335, %dma_start3A_336] : memref<100000x128xf32, #tpu.memory_space<hbm>> -> memref<100000x128xf32, #tpu.memory_space<hbm>>
        %dma_start3A_338 = tpu.memref_slice %arg8[%dma_start3A_327] : memref<4x!tpu.dma_semaphore, #tpu.memory_space<semaphore_mem>> -> memref<1x!tpu.dma_semaphore, #tpu.memory_space<semaphore_mem>>
        %dma_start3A_339 = tpu.memref_squeeze %dma_start3A_338 : memref<1x!tpu.dma_semaphore, #tpu.memory_space<semaphore_mem>> -> memref<!tpu.dma_semaphore, #tpu.memory_space<semaphore_mem>>
        tpu.enqueue_indirect_dma source(%dma_start3A_337 : memref<100000x128xf32, #tpu.memory_space<hbm>>) target(%dma_start3A_331 : memref<128x128xf32, #tpu.memory_space<vmem>>) offsets(%dma_start3A_334 : memref<128xi32, #tpu.memory_space<vmem>>) semaphore(%dma_start3A_339 : memref<!tpu.dma_semaphore, #tpu.memory_space<semaphore_mem>>)
      } else {
      }
      %add3A_269 = arith.constant 3 : i32
      %add3A_270 = arith.addi %add3A_107, %add3A_269 : i32
      %ge3A_271 = arith.constant 2 : i32
      %ge3A_272 = arith.cmpi sge, %add3A_270, %ge3A_271 : i32
      %convert_element_type3A_273 = arith.extui %ge3A_272 : i1 to i32
      %cond3A_274 = arith.constant 0 : i32
      %cond3A_275 = arith.cmpi ne, %convert_element_type3A_273, %cond3A_274 : i32
      scf.if %cond3A_275 {
        %dma_wait3A_324 = arith.constant 1 : i32
        %dma_wait3A_325 = arith.constant 1 : i32
        %dma_wait3A_326 = tpu.memref_slice %arg10[%dma_wait3A_325] : memref<2x!tpu.dma_semaphore, #tpu.memory_space<semaphore_mem>> -> memref<1x!tpu.dma_semaphore, #tpu.memory_space<semaphore_mem>>
        %dma_wait3A_327 = tpu.memref_squeeze %dma_wait3A_326 : memref<1x!tpu.dma_semaphore, #tpu.memory_space<semaphore_mem>> -> memref<!tpu.dma_semaphore, #tpu.memory_space<semaphore_mem>>
        %dma_wait3A_328 = arith.constant 0 : i32
        %dma_wait3A_329 = tpu.memref_slice %arg4[%mul3A_2, %dma_wait3A_328] : memref<819200x128xf32, #tpu.memory_space<hbm>> -> memref<128x128xf32, #tpu.memory_space<hbm>>
        %dma_wait3A_330 = arith.constant 0 : i32
        %dma_wait3A_331 = arith.constant 0 : i32
        %dma_wait3A_332 = tpu.memref_slice %arg7[%arg1, %dma_wait3A_324, %dma_wait3A_330, %dma_wait3A_331] : memref<16x2x128x128xf32, #tpu.memory_space<vmem_shared>> -> memref<1x1x128x128xf32, #tpu.memory_space<vmem_shared>>
        %dma_wait3A_333 = tpu.memref_squeeze %dma_wait3A_332 : memref<1x1x128x128xf32, #tpu.memory_space<vmem_shared>> -> memref<128x128xf32, #tpu.memory_space<vmem_shared>>
        tpu.wait_dma2 semaphore(%dma_wait3A_327 : memref<!tpu.dma_semaphore, #tpu.memory_space<semaphore_mem>>) src(%dma_wait3A_333 : memref<128x128xf32, #tpu.memory_space<vmem_shared>>) dst(%dma_wait3A_329 : memref<128x128xf32, #tpu.memory_space<hbm>>)
      } else {
      }
      %dma_wait3A_276 = arith.constant 0 : i32
      %dma_wait3A_277 = arith.constant 3 : i32
      %dma_wait3A_278 = arith.constant 3 : i32
      %dma_wait3A_279 = arith.constant 0 : i32
      %dma_wait3A_280 = arith.constant 0 : i32
      %dma_wait3A_281 = tpu.memref_slice %arg6[%dma_wait3A_277, %dma_wait3A_279, %dma_wait3A_280] : memref<4x128x128xf32, #tpu.memory_space<vmem>> -> memref<1x128x128xf32, #tpu.memory_space<vmem>>
      %dma_wait3A_282 = tpu.memref_squeeze %dma_wait3A_281 : memref<1x128x128xf32, #tpu.memory_space<vmem>> -> memref<128x128xf32, #tpu.memory_space<vmem>>
      %dma_wait3A_283 = arith.constant 0 : i32
      %dma_wait3A_284 = tpu.memref_slice %arg5[%dma_wait3A_276, %dma_wait3A_283] : memref<200x128xi32, #tpu.memory_space<vmem>> -> memref<1x128xi32, #tpu.memory_space<vmem>>
      %dma_wait3A_285 = tpu.memref_squeeze %dma_wait3A_284 : memref<1x128xi32, #tpu.memory_space<vmem>> -> memref<128xi32, #tpu.memory_space<vmem>>
      %dma_wait3A_286 = arith.constant 0 : i32
      %dma_wait3A_287 = arith.constant 0 : i32
      %dma_wait3A_288 = tpu.memref_slice %arg2[%dma_wait3A_286, %dma_wait3A_287] : memref<100000x128xf32, #tpu.memory_space<hbm>> -> memref<100000x128xf32, #tpu.memory_space<hbm>>
      %dma_wait3A_289 = tpu.memref_slice %arg8[%dma_wait3A_278] : memref<4x!tpu.dma_semaphore, #tpu.memory_space<semaphore_mem>> -> memref<1x!tpu.dma_semaphore, #tpu.memory_space<semaphore_mem>>
      %dma_wait3A_290 = tpu.memref_squeeze %dma_wait3A_289 : memref<1x!tpu.dma_semaphore, #tpu.memory_space<semaphore_mem>> -> memref<!tpu.dma_semaphore, #tpu.memory_space<semaphore_mem>>
      tpu.wait_indirect_dma semaphore(%dma_wait3A_290 : memref<!tpu.dma_semaphore, #tpu.memory_space<semaphore_mem>>) src(%dma_wait3A_288 : memref<100000x128xf32, #tpu.memory_space<hbm>>) dst(%dma_wait3A_282 : memref<128x128xf32, #tpu.memory_space<vmem>>)
      %dma_start3A_291 = arith.constant 3 : i32
      %dma_start3A_292 = arith.constant 1 : i32
      %dma_start3A_293 = arith.constant 1 : i32
      %dma_start3A_294 = arith.constant 0 : i32
      %dma_start3A_295 = arith.constant 0 : i32
      %dma_start3A_296 = tpu.memref_slice %arg6[%dma_start3A_291, %dma_start3A_294, %dma_start3A_295] : memref<4x128x128xf32, #tpu.memory_space<vmem>> -> memref<1x128x128xf32, #tpu.memory_space<vmem>>
      %dma_start3A_297 = tpu.memref_squeeze %dma_start3A_296 : memref<1x128x128xf32, #tpu.memory_space<vmem>> -> memref<128x128xf32, #tpu.memory_space<vmem>>
      %dma_start3A_298 = arith.constant 0 : i32
      %dma_start3A_299 = arith.constant 0 : i32
      %dma_start3A_300 = tpu.memref_slice %arg7[%arg1, %dma_start3A_292, %dma_start3A_298, %dma_start3A_299] : memref<16x2x128x128xf32, #tpu.memory_space<vmem_shared>> -> memref<1x1x128x128xf32, #tpu.memory_space<vmem_shared>>
      %dma_start3A_301 = tpu.memref_squeeze %dma_start3A_300 : memref<1x1x128x128xf32, #tpu.memory_space<vmem_shared>> -> memref<128x128xf32, #tpu.memory_space<vmem_shared>>
      %dma_start3A_302 = tpu.memref_slice %arg9[%dma_start3A_293] : memref<2x!tpu.dma_semaphore, #tpu.memory_space<semaphore_mem>> -> memref<1x!tpu.dma_semaphore, #tpu.memory_space<semaphore_mem>>
      %dma_start3A_303 = tpu.memref_squeeze %dma_start3A_302 : memref<1x!tpu.dma_semaphore, #tpu.memory_space<semaphore_mem>> -> memref<!tpu.dma_semaphore, #tpu.memory_space<semaphore_mem>>
      %dma_start3A_304 = arith.constant 0 : i32
      %dma_start3A_305 = arith.constant 0 : i32
      %dma_start3A_306 = tpu.memref_slice %arg7[%arg1, %dma_start3A_292, %dma_start3A_304, %dma_start3A_305] : memref<16x2x128x128xf32, #tpu.memory_space<vmem_shared>> -> memref<1x1x128x128xf32, #tpu.memory_space<vmem_shared>>
      %dma_start3A_307 = tpu.memref_squeeze %dma_start3A_306 : memref<1x1x128x128xf32, #tpu.memory_space<vmem_shared>> -> memref<128x128xf32, #tpu.memory_space<vmem_shared>>
      %dma_start3A_308 = arith.constant 0 : i32
      %dma_start3A_309 = arith.constant 0 : i32
      %dma_start3A_310 = tpu.memref_slice %arg6[%dma_start3A_291, %dma_start3A_308, %dma_start3A_309] : memref<4x128x128xf32, #tpu.memory_space<vmem>> -> memref<1x128x128xf32, #tpu.memory_space<vmem>>
      %dma_start3A_311 = tpu.memref_squeeze %dma_start3A_310 : memref<1x128x128xf32, #tpu.memory_space<vmem>> -> memref<128x128xf32, #tpu.memory_space<vmem>>
      tpu.enqueue_dma source(%dma_start3A_311 : memref<128x128xf32, #tpu.memory_space<vmem>>) target(%dma_start3A_307 : memref<128x128xf32, #tpu.memory_space<vmem_shared>>) target_semaphore(%dma_start3A_303 : memref<!tpu.dma_semaphore, #tpu.memory_space<semaphore_mem>>)
      %ge3A_312 = arith.constant 1 : i32
      %ge3A_313 = arith.cmpi sge, %add3A_270, %ge3A_312 : i32
      %convert_element_type3A_314 = arith.extui %ge3A_313 : i1 to i32
      %cond3A_315 = arith.constant 0 : i32
      %cond3A_316 = arith.cmpi ne, %convert_element_type3A_314, %cond3A_315 : i32
      scf.if %cond3A_316 {
        %dma_wait3A_324 = arith.constant 0 : i32
        %dma_wait3A_325 = arith.constant 0 : i32
        %dma_wait3A_326 = arith.constant 0 : i32
        %dma_wait3A_327 = arith.constant 0 : i32
        %dma_wait3A_328 = arith.constant 0 : i32
        %dma_wait3A_329 = tpu.memref_slice %arg6[%dma_wait3A_324, %dma_wait3A_327, %dma_wait3A_328] : memref<4x128x128xf32, #tpu.memory_space<vmem>> -> memref<1x128x128xf32, #tpu.memory_space<vmem>>
        %dma_wait3A_330 = tpu.memref_squeeze %dma_wait3A_329 : memref<1x128x128xf32, #tpu.memory_space<vmem>> -> memref<128x128xf32, #tpu.memory_space<vmem>>
        %dma_wait3A_331 = arith.constant 0 : i32
        %dma_wait3A_332 = arith.constant 0 : i32
        %dma_wait3A_333 = tpu.memref_slice %arg7[%arg1, %dma_wait3A_325, %dma_wait3A_331, %dma_wait3A_332] : memref<16x2x128x128xf32, #tpu.memory_space<vmem_shared>> -> memref<1x1x128x128xf32, #tpu.memory_space<vmem_shared>>
        %dma_wait3A_334 = tpu.memref_squeeze %dma_wait3A_333 : memref<1x1x128x128xf32, #tpu.memory_space<vmem_shared>> -> memref<128x128xf32, #tpu.memory_space<vmem_shared>>
        %dma_wait3A_335 = tpu.memref_slice %arg9[%dma_wait3A_326] : memref<2x!tpu.dma_semaphore, #tpu.memory_space<semaphore_mem>> -> memref<1x!tpu.dma_semaphore, #tpu.memory_space<semaphore_mem>>
        %dma_wait3A_336 = tpu.memref_squeeze %dma_wait3A_335 : memref<1x!tpu.dma_semaphore, #tpu.memory_space<semaphore_mem>> -> memref<!tpu.dma_semaphore, #tpu.memory_space<semaphore_mem>>
        %dma_wait3A_337 = arith.constant 0 : i32
        %dma_wait3A_338 = arith.constant 0 : i32
        %dma_wait3A_339 = tpu.memref_slice %arg7[%arg1, %dma_wait3A_325, %dma_wait3A_337, %dma_wait3A_338] : memref<16x2x128x128xf32, #tpu.memory_space<vmem_shared>> -> memref<1x1x128x128xf32, #tpu.memory_space<vmem_shared>>
        %dma_wait3A_340 = tpu.memref_squeeze %dma_wait3A_339 : memref<1x1x128x128xf32, #tpu.memory_space<vmem_shared>> -> memref<128x128xf32, #tpu.memory_space<vmem_shared>>
        %dma_wait3A_341 = arith.constant 0 : i32
        %dma_wait3A_342 = arith.constant 0 : i32
        %dma_wait3A_343 = tpu.memref_slice %arg6[%dma_wait3A_324, %dma_wait3A_341, %dma_wait3A_342] : memref<4x128x128xf32, #tpu.memory_space<vmem>> -> memref<1x128x128xf32, #tpu.memory_space<vmem>>
        %dma_wait3A_344 = tpu.memref_squeeze %dma_wait3A_343 : memref<1x128x128xf32, #tpu.memory_space<vmem>> -> memref<128x128xf32, #tpu.memory_space<vmem>>
        tpu.wait_dma2 semaphore(%dma_wait3A_336 : memref<!tpu.dma_semaphore, #tpu.memory_space<semaphore_mem>>) src(%dma_wait3A_344 : memref<128x128xf32, #tpu.memory_space<vmem>>) dst(%dma_wait3A_340 : memref<128x128xf32, #tpu.memory_space<vmem_shared>>)
        %sub3A = arith.constant 1 : i32
        %sub3A_345 = arith.subi %add3A_270, %sub3A : i32
        %mul3A_346 = arith.constant 128 : i32
        %mul3A_347 = arith.muli %sub3A_345, %mul3A_346 : i32
        %add3A_348 = arith.addi %mul3A_2, %mul3A_347 : i32
        %dma_start3A_349 = arith.constant 0 : i32
        %dma_start3A_350 = arith.constant 0 : i32
        %dma_start3A_351 = tpu.memref_slice %arg10[%dma_start3A_350] : memref<2x!tpu.dma_semaphore, #tpu.memory_space<semaphore_mem>> -> memref<1x!tpu.dma_semaphore, #tpu.memory_space<semaphore_mem>>
        %dma_start3A_352 = tpu.memref_squeeze %dma_start3A_351 : memref<1x!tpu.dma_semaphore, #tpu.memory_space<semaphore_mem>> -> memref<!tpu.dma_semaphore, #tpu.memory_space<semaphore_mem>>
        %dma_start3A_353 = arith.constant 0 : i32
        %dma_start3A_354 = tpu.memref_slice %arg4[%add3A_348, %dma_start3A_353] : memref<819200x128xf32, #tpu.memory_space<hbm>> -> memref<128x128xf32, #tpu.memory_space<hbm>>
        %dma_start3A_355 = arith.constant 0 : i32
        %dma_start3A_356 = arith.constant 0 : i32
        %dma_start3A_357 = tpu.memref_slice %arg7[%arg1, %dma_start3A_349, %dma_start3A_355, %dma_start3A_356] : memref<16x2x128x128xf32, #tpu.memory_space<vmem_shared>> -> memref<1x1x128x128xf32, #tpu.memory_space<vmem_shared>>
        %dma_start3A_358 = tpu.memref_squeeze %dma_start3A_357 : memref<1x1x128x128xf32, #tpu.memory_space<vmem_shared>> -> memref<128x128xf32, #tpu.memory_space<vmem_shared>>
        tpu.enqueue_dma source(%dma_start3A_358 : memref<128x128xf32, #tpu.memory_space<vmem_shared>>) target(%dma_start3A_354 : memref<128x128xf32, #tpu.memory_space<hbm>>) target_semaphore(%dma_start3A_352 : memref<!tpu.dma_semaphore, #tpu.memory_space<semaphore_mem>>)
      } else {
      }
      %add3A_317 = arith.constant 3 : i32
      %add3A_318 = arith.addi %add3A_270, %add3A_317 : i32
      %lt3A_319 = arith.constant 200 : i32
      %lt3A_320 = arith.cmpi slt, %add3A_318, %lt3A_319 : i32
      %convert_element_type3A_321 = arith.extui %lt3A_320 : i1 to i32
      %cond3A_322 = arith.constant 0 : i32
      %cond3A_323 = arith.cmpi ne, %convert_element_type3A_321, %cond3A_322 : i32
      scf.if %cond3A_323 {
        %add3A_324 = arith.constant 3 : i32
        %add3A_325 = arith.addi %add3A_270, %add3A_324 : i32
        %dma_start3A_326 = arith.constant 2 : i32
        %dma_start3A_327 = arith.constant 2 : i32
        %dma_start3A_328 = arith.constant 0 : i32
        %dma_start3A_329 = arith.constant 0 : i32
        %dma_start3A_330 = tpu.memref_slice %arg6[%dma_start3A_326, %dma_start3A_328, %dma_start3A_329] : memref<4x128x128xf32, #tpu.memory_space<vmem>> -> memref<1x128x128xf32, #tpu.memory_space<vmem>>
        %dma_start3A_331 = tpu.memref_squeeze %dma_start3A_330 : memref<1x128x128xf32, #tpu.memory_space<vmem>> -> memref<128x128xf32, #tpu.memory_space<vmem>>
        %dma_start3A_332 = arith.constant 0 : i32
        %dma_start3A_333 = tpu.memref_slice %arg5[%add3A_325, %dma_start3A_332] : memref<200x128xi32, #tpu.memory_space<vmem>> -> memref<1x128xi32, #tpu.memory_space<vmem>>
        %dma_start3A_334 = tpu.memref_squeeze %dma_start3A_333 : memref<1x128xi32, #tpu.memory_space<vmem>> -> memref<128xi32, #tpu.memory_space<vmem>>
        %dma_start3A_335 = arith.constant 0 : i32
        %dma_start3A_336 = arith.constant 0 : i32
        %dma_start3A_337 = tpu.memref_slice %arg2[%dma_start3A_335, %dma_start3A_336] : memref<100000x128xf32, #tpu.memory_space<hbm>> -> memref<100000x128xf32, #tpu.memory_space<hbm>>
        %dma_start3A_338 = tpu.memref_slice %arg8[%dma_start3A_327] : memref<4x!tpu.dma_semaphore, #tpu.memory_space<semaphore_mem>> -> memref<1x!tpu.dma_semaphore, #tpu.memory_space<semaphore_mem>>
        %dma_start3A_339 = tpu.memref_squeeze %dma_start3A_338 : memref<1x!tpu.dma_semaphore, #tpu.memory_space<semaphore_mem>> -> memref<!tpu.dma_semaphore, #tpu.memory_space<semaphore_mem>>
        tpu.enqueue_indirect_dma source(%dma_start3A_337 : memref<100000x128xf32, #tpu.memory_space<hbm>>) target(%dma_start3A_331 : memref<128x128xf32, #tpu.memory_space<vmem>>) offsets(%dma_start3A_334 : memref<128xi32, #tpu.memory_space<vmem>>) semaphore(%dma_start3A_339 : memref<!tpu.dma_semaphore, #tpu.memory_space<semaphore_mem>>)
      } else {
      }
    }
    %scan3A_50 = arith.constant 50 : i32
    %dma_wait3A = arith.constant 0 : i32
    %dma_wait3A_51 = arith.constant 1 : i32
    %dma_wait3A_52 = arith.constant 1 : i32
    %dma_wait3A_53 = arith.constant 0 : i32
    %dma_wait3A_54 = arith.constant 0 : i32
    %dma_wait3A_55 = tpu.memref_slice %arg6[%dma_wait3A, %dma_wait3A_53, %dma_wait3A_54] : memref<4x128x128xf32, #tpu.memory_space<vmem>> -> memref<1x128x128xf32, #tpu.memory_space<vmem>>
    %dma_wait3A_56 = tpu.memref_squeeze %dma_wait3A_55 : memref<1x128x128xf32, #tpu.memory_space<vmem>> -> memref<128x128xf32, #tpu.memory_space<vmem>>
    %dma_wait3A_57 = arith.constant 0 : i32
    %dma_wait3A_58 = arith.constant 0 : i32
    %dma_wait3A_59 = tpu.memref_slice %arg7[%arg1, %dma_wait3A_51, %dma_wait3A_57, %dma_wait3A_58] : memref<16x2x128x128xf32, #tpu.memory_space<vmem_shared>> -> memref<1x1x128x128xf32, #tpu.memory_space<vmem_shared>>
    %dma_wait3A_60 = tpu.memref_squeeze %dma_wait3A_59 : memref<1x1x128x128xf32, #tpu.memory_space<vmem_shared>> -> memref<128x128xf32, #tpu.memory_space<vmem_shared>>
    %dma_wait3A_61 = tpu.memref_slice %arg9[%dma_wait3A_52] : memref<2x!tpu.dma_semaphore, #tpu.memory_space<semaphore_mem>> -> memref<1x!tpu.dma_semaphore, #tpu.memory_space<semaphore_mem>>
    %dma_wait3A_62 = tpu.memref_squeeze %dma_wait3A_61 : memref<1x!tpu.dma_semaphore, #tpu.memory_space<semaphore_mem>> -> memref<!tpu.dma_semaphore, #tpu.memory_space<semaphore_mem>>
    %dma_wait3A_63 = arith.constant 0 : i32
    %dma_wait3A_64 = arith.constant 0 : i32
    %dma_wait3A_65 = tpu.memref_slice %arg7[%arg1, %dma_wait3A_51, %dma_wait3A_63, %dma_wait3A_64] : memref<16x2x128x128xf32, #tpu.memory_space<vmem_shared>> -> memref<1x1x128x128xf32, #tpu.memory_space<vmem_shared>>
    %dma_wait3A_66 = tpu.memref_squeeze %dma_wait3A_65 : memref<1x1x128x128xf32, #tpu.memory_space<vmem_shared>> -> memref<128x128xf32, #tpu.memory_space<vmem_shared>>
    %dma_wait3A_67 = arith.constant 0 : i32
    %dma_wait3A_68 = arith.constant 0 : i32
    %dma_wait3A_69 = tpu.memref_slice %arg6[%dma_wait3A, %dma_wait3A_67, %dma_wait3A_68] : memref<4x128x128xf32, #tpu.memory_space<vmem>> -> memref<1x128x128xf32, #tpu.memory_space<vmem>>
    %dma_wait3A_70 = tpu.memref_squeeze %dma_wait3A_69 : memref<1x128x128xf32, #tpu.memory_space<vmem>> -> memref<128x128xf32, #tpu.memory_space<vmem>>
    tpu.wait_dma2 semaphore(%dma_wait3A_62 : memref<!tpu.dma_semaphore, #tpu.memory_space<semaphore_mem>>) src(%dma_wait3A_70 : memref<128x128xf32, #tpu.memory_space<vmem>>) dst(%dma_wait3A_66 : memref<128x128xf32, #tpu.memory_space<vmem_shared>>)
    %add3A_71 = arith.constant 25472 : i32
    %add3A_72 = arith.addi %mul3A_2, %add3A_71 : i32
    %dma_start3A_73 = arith.constant 1 : i32
    %dma_start3A_74 = arith.constant 1 : i32
    %dma_start3A_75 = tpu.memref_slice %arg10[%dma_start3A_74] : memref<2x!tpu.dma_semaphore, #tpu.memory_space<semaphore_mem>> -> memref<1x!tpu.dma_semaphore, #tpu.memory_space<semaphore_mem>>
    %dma_start3A_76 = tpu.memref_squeeze %dma_start3A_75 : memref<1x!tpu.dma_semaphore, #tpu.memory_space<semaphore_mem>> -> memref<!tpu.dma_semaphore, #tpu.memory_space<semaphore_mem>>
    %dma_start3A_77 = arith.constant 0 : i32
    %dma_start3A_78 = tpu.memref_slice %arg4[%add3A_72, %dma_start3A_77] : memref<819200x128xf32, #tpu.memory_space<hbm>> -> memref<128x128xf32, #tpu.memory_space<hbm>>
    %dma_start3A_79 = arith.constant 0 : i32
    %dma_start3A_80 = arith.constant 0 : i32
    %dma_start3A_81 = tpu.memref_slice %arg7[%arg1, %dma_start3A_73, %dma_start3A_79, %dma_start3A_80] : memref<16x2x128x128xf32, #tpu.memory_space<vmem_shared>> -> memref<1x1x128x128xf32, #tpu.memory_space<vmem_shared>>
    %dma_start3A_82 = tpu.memref_squeeze %dma_start3A_81 : memref<1x1x128x128xf32, #tpu.memory_space<vmem_shared>> -> memref<128x128xf32, #tpu.memory_space<vmem_shared>>
    tpu.enqueue_dma source(%dma_start3A_82 : memref<128x128xf32, #tpu.memory_space<vmem_shared>>) target(%dma_start3A_78 : memref<128x128xf32, #tpu.memory_space<hbm>>) target_semaphore(%dma_start3A_76 : memref<!tpu.dma_semaphore, #tpu.memory_space<semaphore_mem>>)
    %dma_wait3A_83 = arith.constant 0 : i32
    %dma_wait3A_84 = arith.constant 0 : i32
    %dma_wait3A_85 = tpu.memref_slice %arg10[%dma_wait3A_84] : memref<2x!tpu.dma_semaphore, #tpu.memory_space<semaphore_mem>> -> memref<1x!tpu.dma_semaphore, #tpu.memory_space<semaphore_mem>>
    %dma_wait3A_86 = tpu.memref_squeeze %dma_wait3A_85 : memref<1x!tpu.dma_semaphore, #tpu.memory_space<semaphore_mem>> -> memref<!tpu.dma_semaphore, #tpu.memory_space<semaphore_mem>>
    %dma_wait3A_87 = arith.constant 0 : i32
    %dma_wait3A_88 = tpu.memref_slice %arg4[%mul3A_2, %dma_wait3A_87] : memref<819200x128xf32, #tpu.memory_space<hbm>> -> memref<128x128xf32, #tpu.memory_space<hbm>>
    %dma_wait3A_89 = arith.constant 0 : i32
    %dma_wait3A_90 = arith.constant 0 : i32
    %dma_wait3A_91 = tpu.memref_slice %arg7[%arg1, %dma_wait3A_83, %dma_wait3A_89, %dma_wait3A_90] : memref<16x2x128x128xf32, #tpu.memory_space<vmem_shared>> -> memref<1x1x128x128xf32, #tpu.memory_space<vmem_shared>>
    %dma_wait3A_92 = tpu.memref_squeeze %dma_wait3A_91 : memref<1x1x128x128xf32, #tpu.memory_space<vmem_shared>> -> memref<128x128xf32, #tpu.memory_space<vmem_shared>>
    tpu.wait_dma2 semaphore(%dma_wait3A_86 : memref<!tpu.dma_semaphore, #tpu.memory_space<semaphore_mem>>) src(%dma_wait3A_92 : memref<128x128xf32, #tpu.memory_space<vmem_shared>>) dst(%dma_wait3A_88 : memref<128x128xf32, #tpu.memory_space<hbm>>)
    %dma_wait3A_93 = arith.constant 1 : i32
    %dma_wait3A_94 = arith.constant 1 : i32
    %dma_wait3A_95 = tpu.memref_slice %arg10[%dma_wait3A_94] : memref<2x!tpu.dma_semaphore, #tpu.memory_space<semaphore_mem>> -> memref<1x!tpu.dma_semaphore, #tpu.memory_space<semaphore_mem>>
    %dma_wait3A_96 = tpu.memref_squeeze %dma_wait3A_95 : memref<1x!tpu.dma_semaphore, #tpu.memory_space<semaphore_mem>> -> memref<!tpu.dma_semaphore, #tpu.memory_space<semaphore_mem>>
    %dma_wait3A_97 = arith.constant 0 : i32
    %dma_wait3A_98 = tpu.memref_slice %arg4[%mul3A_2, %dma_wait3A_97] : memref<819200x128xf32, #tpu.memory_space<hbm>> -> memref<128x128xf32, #tpu.memory_space<hbm>>
    %dma_wait3A_99 = arith.constant 0 : i32
    %dma_wait3A_100 = arith.constant 0 : i32
    %dma_wait3A_101 = tpu.memref_slice %arg7[%arg1, %dma_wait3A_93, %dma_wait3A_99, %dma_wait3A_100] : memref<16x2x128x128xf32, #tpu.memory_space<vmem_shared>> -> memref<1x1x128x128xf32, #tpu.memory_space<vmem_shared>>
    %dma_wait3A_102 = tpu.memref_squeeze %dma_wait3A_101 : memref<1x1x128x128xf32, #tpu.memory_space<vmem_shared>> -> memref<128x128xf32, #tpu.memory_space<vmem_shared>>
    tpu.wait_dma2 semaphore(%dma_wait3A_96 : memref<!tpu.dma_semaphore, #tpu.memory_space<semaphore_mem>>) src(%dma_wait3A_102 : memref<128x128xf32, #tpu.memory_space<vmem_shared>>) dst(%dma_wait3A_98 : memref<128x128xf32, #tpu.memory_space<hbm>>)
    return
  }
}

</mosaic_0001>

<sc_bundles>
// kernel: _gather.3.cloned.1.call-start
scs
__scs_entry_jumppad:
0x0: {  	(pc) =	sbr.rel $0x88, $3  }
0x1: {  	(tag) =	ssettag $0x0;
	lr =	simm.s32 $0x1  }
0x2: {  	[smem:$0x3F9F] =	sst lr;
	_ =	strace $0xD0000000  }
0x3: {  	_ = 	snop  }
0x4: {  	_ = 	snop  }
0x5: {  	_ = 	snop  }
0x6: {  	_ = 	snop  }
0x7: {  	_ = 	snop  }
__scs_overlays_trampoline_lowered:
0x8: {  	[smem:$0x3FAE] =	sst s0  }
0x9: {  	[smem:$0x3FAF] =	sst s1  }
0xa: {  	[smem:$0x3FB0] =	sst s2  }
0xb: {  	[smem:$0x3FB1] =	sst s3  }
0xc: {  	[smem:$0x3FB2] =	sst s4  }
0xd: {  	[smem:$0x3FB3] =	sst s5  }
0xe: {  	[smem:$0x3FB4] =	sst s6  }
0xf: {  	[smem:$0x3FB5] =	sst s7  }
0x10: {  	[smem:$0x3FB6] =	sst s8  }
0x11: {  	[smem:$0x3FB7] =	sst s9;
	s0 =	simm.s32 @!p0 $0x0  }
0x12: {  	s1 =	sld [smem:$0x3F9D];
	s0 =	simm.s32 @p0 $0x1  }
0x13: {  	[smem:$0x3FB8] =	sst s0;
	s0 =	simm.s32 @!p1 $0x0  }
0x14: {  	s2 =	sld [smem:$0x3F9C];
	s0 =	simm.s32 @p1 $0x1  }
0x15: {  	[smem:$0x3FB9] =	sst s0;
	s0 =	simm.s32 @!p2 $0x0  }
0x16: {  	s3 =	sld [smem:$0x3FDB];
	s0 =	simm.s32 @p2 $0x1  }
0x17: {  	s4 =	simm.s32 $0x1BF5;
	[smem:$0x3FBB] =	sst s0  }
0x18: {  	s0 =	sld [smem:$0x3F9E];
	_ =	swait.ge [sflag:s4], $0x0  }
0x19: {  	s7 =	sld [smem:$0x3F9F]  }
0x1a: {  	s8 =	sadd.s32 $0xFFFFE003, lr  }
0x1b: {  	s9 =	sadd.s32 $0xFFFFFEF7, lr;
	s5 =	simm.s32 $0xFFFFFFFF;
	p2 =	slt.u32 s8, $0xFFFFF086  }
0x1c: {  	p1 =	slt.u32 s9, $0xF7A;
	s5 =	simm.s32 @!p2 $0x0  }
0x1d: {  	s5 =	simm.s32 @p1 $0x1;
	p0 =	seq.s32 s7, s2  }
0x1e: {  	s7 =	smul.u32 @!p0 $0xF7A, s2;
	p2 =	seq.s32 @!p0 s5, $0x0  }
0x1f: {  	s9 =	smul.u32 $0xF7A, s1;
	s8 =	simm.s32 @!p0 $0x1BF5;
	p2 =	por !p2, p0  }
0x20: {  	[sflag:s8] =	ssyncset.s32 @!p0 $0xFFFFF086;
	s6 =	sadd.s32 @!p0 s3, s7;
	s7 =	simm.s32 @!p0 $0x108  }
0x21: {  	s3 =	sadd.s32 s3, s9;
	s6 =	sadd.s32 @!p0 $0x88, s6;
	s7 =	simm.s32 @p2 $0x1082  }
0x22: {  	[simem:s7], [sflag:s8] =	dma.local @!p0 [hbm:s6], $0xF7A  }
0x23: {  	s9 =	sor.u32 $0xD0000000, s2;
	s6 =	simm.s32 $0x108;
	_ =	swait.ge @!p0 [sflag:s8], $0x0  }
0x24: {  	s3 =	sadd.s32 $0x88, s3;
	s6 =	simm.s32 @!p1 $0x1082;
	[sflag:s4] =	ssyncset.s32 $0xFFFFF086  }
0x25: {  	[simem:s6], [sflag:s4] =	dma.local [hbm:s3], $0xF7A  }
0x26: {  	[smem:$0x3F9F] =	sst s1;
	(tag) =	ssettag s2;
	_ =	strace s9  }
0x27: {  	s1 =	sld [smem:$0x3FAF]  }
0x28: {  	s2 =	sld [smem:$0x3FB0]  }
0x29: {  	s4 =	sld [smem:$0x3FB2]  }
0x2a: {  	p0 =	seq.s32 s5, $0x0;
	s5 =	sld [smem:$0x3FB3]  }
0x2b: {  	s6 =	sld [smem:$0x3FB4]  }
0x2c: {  	s7 =	sld [smem:$0x3FB5]  }
0x2d: {  	s3 =	simm.s32 $0x108;
	s8 =	sld [smem:$0x3FB6]  }
0x2e: {  	s3 =	simm.s32 @!p0 $0x1082;
	s9 =	sld [smem:$0x3FB7]  }
0x2f: {  	lr =	sadd.s32 s0, s3;
	s0 =	sld [smem:$0x3FAE]  }
0x30: {  	s3 =	sld [smem:$0x3FB1]  }
0x31: {  	[smem:$0x3FBA] =	sst s10  }
0x32: {  	s10 =	sld [smem:$0x3FB8];
	_ =	sdelay $0x3  }
0x33: {  	p0 =	seq.s32 s10, $0x1;
	s10 =	sld [smem:$0x3FBA];
	_ =	sdelay $0x3  }
0x34: {  	[smem:$0x3FBA] =	sst s10  }
0x35: {  	s10 =	sld [smem:$0x3FB9];
	_ =	sdelay $0x3  }
0x36: {  	p1 =	seq.s32 s10, $0x1;
	s10 =	sld [smem:$0x3FBA];
	_ =	sdelay $0x3  }
0x37: {  	[smem:$0x3FBA] =	sst s10  }
0x38: {  	s10 =	sld [smem:$0x3FBB]  }
0x39: {  	_ = 	snop;
	(pc) =	sbr.ind lr, $3  }
0x3a: {  	_ = 	snop  }
0x3b: {  	_ = 	snop  }
0x3c: {  	p2 =	seq.s32 s10, $0x1;
	s10 =	sld [smem:$0x3FBA]  }
0x3d: {  	_ =	shalt  }
0x3e: {  	_ =	shalt  }
0x3f: {  	_ =	shalt  }
0x40: {  	_ =	shalt  }
0x41: {  	_ =	shalt  }
0x42: {  	_ =	shalt  }
0x43: {  	_ =	shalt  }
0x44: {  	_ =	shalt  }
0x45: {  	_ =	shalt  }
0x46: {  	_ =	shalt  }
0x47: {  	_ =	shalt  }
0x48: {  	_ =	shalt  }
0x49: {  	_ =	shalt  }
0x4a: {  	_ =	shalt  }
0x4b: {  	_ =	shalt  }
0x4c: {  	_ =	shalt  }
0x4d: {  	_ =	shalt  }
0x4e: {  	_ =	shalt  }
0x4f: {  	_ =	shalt  }
0x50: {  	_ =	shalt  }
0x51: {  	_ =	shalt  }
0x52: {  	_ =	shalt  }
0x53: {  	_ =	shalt  }
0x54: {  	_ =	shalt  }
0x55: {  	_ =	shalt  }
0x56: {  	_ =	shalt  }
0x57: {  	_ =	shalt  }
0x58: {  	_ =	shalt  }
0x59: {  	_ =	shalt  }
0x5a: {  	_ =	shalt  }
0x5b: {  	_ =	shalt  }
0x5c: {  	_ =	shalt  }
0x5d: {  	_ =	shalt  }
0x5e: {  	_ =	shalt  }
0x5f: {  	_ =	shalt  }
0x60: {  	_ =	shalt  }
0x61: {  	_ =	shalt  }
0x62: {  	_ =	shalt  }
0x63: {  	_ =	shalt  }
0x64: {  	_ =	shalt  }
0x65: {  	_ =	shalt  }
0x66: {  	_ =	shalt  }
0x67: {  	_ =	shalt  }
0x68: {  	_ =	shalt  }
0x69: {  	_ =	shalt  }
0x6a: {  	_ =	shalt  }
0x6b: {  	_ =	shalt  }
0x6c: {  	_ =	shalt  }
0x6d: {  	_ =	shalt  }
0x6e: {  	_ =	shalt  }
0x6f: {  	_ =	shalt  }
0x70: {  	_ =	shalt  }
0x71: {  	_ =	shalt  }
0x72: {  	_ =	shalt  }
0x73: {  	_ =	shalt  }
0x74: {  	_ =	shalt  }
0x75: {  	_ =	shalt  }
0x76: {  	_ =	shalt  }
0x77: {  	_ =	shalt  }
0x78: {  	_ =	shalt  }
0x79: {  	_ =	shalt  }
0x7a: {  	_ =	shalt  }
0x7b: {  	_ =	shalt  }
0x7c: {  	_ =	shalt  }
0x7d: {  	_ =	shalt  }
0x7e: {  	_ =	shalt  }
0x7f: {  	_ =	shalt  }
0x80: {  	_ =	shalt  }
0x81: {  	_ =	shalt  }
0x82: {  	_ =	shalt  }
0x83: {  	_ =	shalt  }
0x84: {  	_ =	shalt  }
0x85: {  	_ =	shalt  }
0x86: {  	_ =	shalt  }
0x87: {  	_ =	shalt  }
.Lfunc_end0:
.L_simem_size_0:
called_computation_lowered:
.L_overlay_start_0:
0x88: {  	s2 =	sld [smem:$0x3FD9]  }
0x89: {  	s3 =	sld [smem:$0x3FFE];
	_ =	sdelay $0x1  }
0x8a: {  	s1 =	srdreg.scid  }
0x8b: {  	s0 =	sand.u32 $0x1, s1  }
0x8c: {  	s18 =	sshll.u32 s0, $0xA;
	s2 =	sadd.s32 s3, s2  }
0x8d: {  	s2 =	sadd.s32 s2, s18  }
0x8e: {  	[smem:$0x3FC6] =	sst s2  }
0x8f: {  	_ = 	snop  }
0x90: {  	s2 =	sld [smem:$0x3FC9]  }
0x91: {  	s19 =	sld [smem:$0x3FC8]  }
0x92: {  	s4 =	sld [smem:$0x3FD0];
	(tm) =	ssettm $0x1  }
0x93: {  	s5 =	sld [smem:$0x3FFB];
	_ =	sdelay $0x3  }
0x94: {  	_ =	strace s5  }
0x95: {  	s5 =	sld [smem:$0x3FFC];
	_ =	sdelay $0x3  }
0x96: {  	_ =	strace s5  }
0x97: {  	s5 =	sld [smem:$0x3FFD];
	_ =	sdelay $0x3  }
0x98: {  	_ =	strace s5  }
0x99: {  	_ =	strace $0x8FFFFFFF  }
0x9a: {  	s20 =	sld [smem:$0x3FDB];
	_ =	sdelay $0x1  }
0x9b: {  	s6 =	simm.s32 $_scs_section_size  }
0x9c: {  	s7 =	simm.s32 $_size__tile_overlayer_lowered;
	s8 =	simm.s32 $_tile_overlayer_lowered  }
0x9d: {  	s23 =	simm.s32 $0x1BFF;
	s22 =	sshll.u32 s8, $0x1;
	s5 =	sadd.s32 s6, s20  }
0x9e: {  	s9 =	simm.s32 $0x0;
	s21 =	sshll.u32 s7, $0x1;
	s7 =	sadd.s32 s22, s5  }
0x9f: {  	[timem:s9], [sflag:s23] =	dma.local [hbm:s7], s21  }
0xa0: {  	_ =	swait.ge [sflag:s23], s21  }
0xa1: {  	s6 =	ssub.s32 $0x0, s21;
	[sflag:s23] =	ssyncset.done $0x0  }
0xa2: {  	[sflag:s23] =	ssyncadd.s32 s6;
	_ =	sdelay $0x1  }
0xa3: {  	s24 =	simm.s32 $0x1B8B  }
0xa4: {  	_ =	swait.ge [sflag:s24], $0x1  }
0xa5: {  	[sflag:s24] =	ssyncset.done $0x0  }
0xa6: {  	s25 =	simm.s32 $0x1B8E;
	[sflag:s24] =	ssyncadd.s32 $0xFFFFFFFF  }
0xa7: {  	s26 =	simm.s32 $execute0_lowered;
	[smem:$0x3FD2] =	sst s25  }
0xa8: {  	s6 =	sshll.u32 s26, $0x1;
	_ =	strace $0x80000046;
	[dreg:$0x1] =	wrdreg $0xFFFFFFFF  }
0xa9: {  	s28 =	simm.s32 $_size_execute0_lowered;
	s5 =	sadd.s32 s5, s6;
	[dreg:$0x0] =	wrdreg $0x0  }
0xaa: {  	s6 =	sshll.u32 s28, $0x1;
	[dreg:$0x2] =	wrdreg s5  }
0xab: {  	[dreg:$0x3] =	wrdreg s6  }
0xac: {  	[dreg:$0x4] =	wrdreg $0xC0  }
0xad: {  	_ =	task [dreg:s9], $0x5FFFF  }
0xae: {  	[dreg:$0x1] =	wrdreg $0xFFFFFFFF  }
0xaf: {  	[dreg:$0x0] =	wrdreg $0x60  }
0xb0: {  	[dreg:$0x2] =	wrdreg s2  }
0xb1: {  	[dreg:$0x3] =	wrdreg s19  }
0xb2: {  	[dreg:$0x4] =	wrdreg s4  }
0xb3: {  	[dreg:$0x5] =	wrdreg $0x164000  }
0xb4: {  	[dreg:$0x6] =	wrdreg $0x9  }
0xb5: {  	_ =	task.clear_ibuf [dreg:s9], $0x7FFFF;
	_ =	strace $0x90000046  }
0xb6: {  	s29 =	simm.s32 $0x9;
	_ =	strace $0x80000048  }
0xb7: {  	_ =	swait.ge [sflag:s29], $0x1  }
0xb8: {  	[sflag:s29] =	ssyncadd.s32 $0xFFFFFFFF  }
0xb9: {  	_ =	strace $0x90000048  }
0xba: {  	_ =	sfence  }
0xbb: {  	s30 =	sld [smem:$0x0];
	_ =	sdelay $0x2  }
0xbc: {  	s31 =	sshll.u32 s1, $0xD;
	s1 =	sshrl.u32 s1, $0x2  }
0xbd: {  	s3 =	sand.u32 $0x4000, s31;
	s1 =	sadd.s32 s1, s30  }
0xbe: {  	s0 =	sor.u32 s3, s0;
	s1 =	sshll.u32 s1, $0x11  }
0xbf: {  	s0 =	sor.u32 s1, s0  }
0xc0: {  	s0 =	sadd.s32 $0x8F2B, s0  }
0xc1: {  	[sflag:s0] =	ssyncadd.remote.s32 $0x1  }
0xc2: {  	_ =	sfence.sel $0xFFFF  }
0xc3: {  	[dreg:$0x0] =	wrdreg $0xFFFFFFFF;
	(pc) =	sbr.abs _section_cstart, $3  }
0xc4: {  	[dreg:$0x1] =	wrdreg $0xFFFFFFFF  }
0xc5: {  	_ =	task.clear_ibuf [dreg:s9], $0x2FFFF;
	_ =	strace $0x9FFFFFFF  }
0xc6: {  	(tm) =	ssettm $0x7FFFFFFF  }
0xc7: {  	_ =	shalt  }
tec
execute0_lowered:
.L_overlay_start_1:
0x0: {  	(tag) =	ssettag $0x1  }
0x1: {  	s1 =	rddreg [dreg:$0x0]  }
0x2: {  	s2 =	rddreg [dreg:$0x1]  }
0x3: {  	s10 =	rddreg [dreg:$0x2];
	s3 =	srdreg.scid  }
0x4: {  	s0 =	stileid.u32;
	s5 =	rddreg [dreg:$0x3];
	s19 =	simm.s32 $0x0  }
0x5: {  	s14 =	simm.s32 $0xA400;
	s16 =	simm.s32 $0xE400;
	s17 =	simm.s32 $0x2  }
0x6: {  	s18 =	simm.s32 $0x5;
	s28 =	simm.s32 $0x4;
	s29 =	simm.s32 $0x12400  }
0x7: {  	s30 =	simm.s32 $0x0;
	s7 =	sand.u32 $0x1, s3;
	s4 =	sshll.u32 s0, $0x1  }
0x8: {  	[smem:$0x7FF] =	sst s19;
	s21 =	smul.u32 $0xC8000, s0;
	s22 =	sshll.u32 s0, $0xF  }
0x9: {  	s12 =	smul.u32 $0x640000, s0;
	s31 =	sshll.u32 s0, $0x6;
	s4 =	sor.u32 s7, s4  }
0xa: {  	s6 =	ssub.s32 $0x2, s7;
	_ =	strace $0x80000047;
	s24 =	smul.u32 $0x320000, s7  }
0xb: {  	s5 =	sadd.s32 s22, s5;
	s13 =	smul.u32 $0x64000, s7;
	s19 =	sor.u32 $0x1C07, s31  }
0xc: {  	s22 =	simm.s32 $0x3;
	s8 =	smul.u32 $0x6400, s4;
	s9 =	sshrl.u32 s6, $0x1  }
0xd: {  	s11 =	smul.u32 $0x320000, s4;
	s25 =	sadd.s32 s21, s10;
	s21 =	simm.s32 $0x7  }
0xe: {  	s9 =	ssub.s32 s6, s9;
	s6 =	sadd.s32 $0x4000, s5;
	s20 =	sshrl.u32 s8, $0x3  }
0xf: {  	s23 =	sshrl.u32 s11, $0x3;
	s11 =	sadd.s32 s24, s12;
	s8 =	smax.u32 s9, $0x1  }
.Ltmp0:
0x10: {  	s9 =	sadd.s32 s13, s25;
	s12 =	simm.s32 $0x80;
	(pc) =	sbr.rel .LBB2_1-.Ltmp0, $4  }
0x11: {  	s24 =	sor.u32 $0x1C08, s31;
	s25 =	sshrl.u32 s6, $0x3;
	s2 =	sadd.s32 s2, s20  }
0x12: {  	s26 =	sshrl.u32 s11, $0x3;
	s11 =	simm.s32 $0x9;
	s20 =	sshrl.u32 s5, $0x3  }
0x13: {  	[dreg:$0x5] =	wrdreg s2;
	s2 =	sadd.s32 s10, s23;
	s10 =	sadd.s32 s26, s10  }
0x14: {  	s23 =	simm.s32 $0x6;
	s26 =	simm.s32 $0x8;
	s7 =	sadd.s32 $0x63800, s2  }
.LBB2_4:
0x15: {  	_ =	swait.ge [sflag:s23], $0x4000  }
0x16: {  	[sflag:s23] =	ssyncset.done $0x0  }
0x17: {  	s30 =	sadd.s32 $0x1, s30;
	[sflag:s23] =	ssyncadd.s32 $0xFFFFC000  }
0x18: {  	[hbm:s7], [sflag:s24] =	dma.local [spmem:s25], $0x800  }
0x19: {  	p0 =	sne.s32 s30, s8;
	_ =	swait.ge [sflag:s21], $0x800  }
.Ltmp1:
0x1a: {  	[sflag:s21] =	ssyncset.done $0x0;
	(pc) =	sbr.rel @!p0 .LBB2_5-.Ltmp1, $4  }
0x1b: {  	[sflag:s21] =	ssyncadd.s32 $0xFFFFF800  }
0x1c: {  	_ =	swait.ge [sflag:s26], $0x800  }
0x1d: {  	[sflag:s26] =	ssyncset.done $0x0  }
0x1e: {  	[sflag:s26] =	ssyncadd.s32 $0xFFFFF800  }
.LBB2_1:
0x1f: {  	s2 =	simm.s32 $0x0;
	s3 =	rddreg [dreg:$0x5]  }
0x20: {  	[tilespmem:s2], [sflag:$0x9] =	stream.linear.gather [hbm4b:s3+s2], $0x6400, $0x38;
	[tilespmem:$0x1E400] =	vst v63  }
0x21: {  	_ =	swait.ge [sflag:s11], $0x6400  }
0x22: {  	[sflag:s11] =	ssyncset.done $0x0  }
0x23: {  	s13 =	simm.s32 $0x6400;
	[sflag:s11] =	ssyncadd.s32 $0xFFFF9C00  }
0x24: {  	[tilespmem:s13], [sflag:$0x1] =	stream.indirect.gather [hbm4b:s1+s12], $0x80, s2, s12, $0xb8;
	[tilespmem:$0x1E400] =	vst v63  }
0x25: {  	_ = 	snop  }
0x26: {  	[tilespmem:s14], [sflag:$0x2] =	stream.indirect.gather [hbm4b:s1+s12], $0x80, s12, s12, $0xb8;
	[tilespmem:$0x1E400] =	vst v63  }
0x27: {  	s15 =	simm.s32 $0x100;
	s31 =	simm.s32 $0x300;
	s2 =	simm.s32 $0x0  }
0x28: {  	[tilespmem:s16], [sflag:$0x3] =	stream.indirect.gather [hbm4b:s1+s12], $0x80, s15, s12, $0xb8;
	[tilespmem:$0x1E400] =	vst v63  }
.LBB2_2:
0x29: {  	p0 =	seq.s32 s2, $0x0  }
0x2a: {  	s13 =	simm.s32 @p0 $0x1  }
0x2b: {  	_ =	swait.ge @p0 [sflag:s13], $0x4000  }
0x2c: {  	[sflag:s13] =	ssyncset.done @p0 $0x0  }
0x2d: {  	[sflag:s13] =	ssyncadd.s32 @p0 $0xFFFFC000;
	s13 =	simm.s32 @p0 $0x6400  }
0x2e: {  	[spmem:s5] =	stream.linear.scatter @p0 [tilespmem:s13], [sflag:$0x5], $0x4000, $0x38;
	[tilespmem:$0x1E400] =	vst v63  }
0x2f: {  	s15 =	simm.s32 @p0 $0x80;
	s3 =	simm.s32 @p0 $0x12400;
	s13 =	sadd.s32 @p0 $0xFFFFFE80, s31  }
0x30: {  	[tilespmem:s3], [sflag:$0x4] =	stream.indirect.gather @p0 [hbm4b:s1+s15], $0x80, s13, s15, $0xb8;
	[tilespmem:$0x1E400] =	vst v63  }
0x31: {  	s3 =	simm.s32 @!p0 $0x7  }
0x32: {  	_ =	swait.ge @!p0 [sflag:s3], $0x800  }
0x33: {  	[sflag:s3] =	ssyncset.done @!p0 $0x0  }
0x34: {  	[sflag:s3] =	ssyncadd.s32 @!p0 $0xFFFFF800;
	s3 =	simm.s32 @!p0 $0x1  }
0x35: {  	_ =	swait.ge @!p0 [sflag:s3], $0x4000  }
0x36: {  	[sflag:s3] =	ssyncset.done @!p0 $0x0  }
0x37: {  	[sflag:s3] =	ssyncadd.s32 @!p0 $0xFFFFC000;
	s3 =	simm.s32 @!p0 $0x6400  }
0x38: {  	[spmem:s5] =	stream.linear.scatter @!p0 [tilespmem:s3], [sflag:$0x5], $0x4000, $0x38;
	[tilespmem:$0x1E400] =	vst v63  }
0x39: {  	s3 =	simm.s32 @!p0 $0x6  }
0x3a: {  	_ =	swait.ge @!p0 [sflag:s3], $0x4000  }
0x3b: {  	[sflag:s3] =	ssyncset.done @!p0 $0x0  }
0x3c: {  	s13 =	sshll.u32 @!p0 s0, $0x6;
	[sflag:s3] =	ssyncadd.s32 @!p0 $0xFFFFC000;
	s3 =	sadd.s32 @!p0 s2, s9  }
0x3d: {  	s15 =	sshrl.u32 @!p0 s6, $0x3;
	s13 =	sor.u32 @!p0 $0x1C08, s13;
	s3 =	sadd.s32 @!p0 $0xFFFFF800, s3  }
0x3e: {  	[hbm:s3], [sflag:s13] =	dma.local @!p0 [spmem:s15], $0x800  }
0x3f: {  	s3 =	sadd.s32 @!p0 $0xFFFFFE80, s31;
	s13 =	simm.s32 @!p0 $0x80;
	s15 =	simm.s32 @!p0 $0x12400  }
0x40: {  	[tilespmem:s15], [sflag:$0x4] =	stream.indirect.gather @!p0 [hbm4b:s1+s13], $0x80, s3, s13, $0xb8;
	[tilespmem:$0x1E400] =	vst v63  }
0x41: {  	s3 =	simm.s32 @!p0 $0x8  }
0x42: {  	_ =	swait.ge @!p0 [sflag:s3], $0x800  }
0x43: {  	[sflag:s3] =	ssyncset.done @!p0 $0x0  }
0x44: {  	[sflag:s3] =	ssyncadd.s32 @!p0 $0xFFFFF800  }
0x45: {  	_ =	swait.ge [sflag:s17], $0x4000  }
0x46: {  	[sflag:s17] =	ssyncset.done $0x0  }
0x47: {  	[sflag:s17] =	ssyncadd.s32 $0xFFFFC000  }
0x48: {  	[spmem:s6] =	stream.linear.scatter [tilespmem:s14], [sflag:$0x6], $0x4000, $0x38;
	[tilespmem:$0x1E400] =	vst v63  }
0x49: {  	_ =	swait.ge [sflag:s18], $0x4000  }
0x4a: {  	[sflag:s18] =	ssyncset.done $0x0  }
0x4b: {  	s15 =	sadd.s32 s2, s10;
	p0 =	seq.s32 s2, $0x62000;
	[sflag:s18] =	ssyncadd.s32 $0xFFFFC000  }
0x4c: {  	[hbm:s15], [sflag:s19] =	dma.local [spmem:s20], $0x800  }
0x4d: {  	s3 =	sadd.s32 @!p0 $0xFFFFFF00, s31;
	s13 =	simm.s32 @!p0 $0x80;
	s15 =	simm.s32 @!p0 $0x6400  }
0x4e: {  	[tilespmem:s15], [sflag:$0x1] =	stream.indirect.gather @!p0 [hbm4b:s1+s13], $0x80, s3, s13, $0xb8;
	[tilespmem:$0x1E400] =	vst v63  }
0x4f: {  	_ =	swait.ge [sflag:s21], $0x800  }
0x50: {  	[sflag:s21] =	ssyncset.done $0x0  }
0x51: {  	[sflag:s21] =	ssyncadd.s32 $0xFFFFF800  }
0x52: {  	_ =	swait.ge [sflag:s22], $0x4000  }
0x53: {  	[sflag:s22] =	ssyncset.done $0x0  }
0x54: {  	[sflag:s22] =	ssyncadd.s32 $0xFFFFC000  }
0x55: {  	[spmem:s5] =	stream.linear.scatter [tilespmem:s16], [sflag:$0x5], $0x4000, $0x38;
	[tilespmem:$0x1E400] =	vst v63  }
0x56: {  	_ =	swait.ge [sflag:s23], $0x4000  }
0x57: {  	s3 =	sadd.s32 s2, s9;
	[sflag:s23] =	ssyncset.done $0x0  }
0x58: {  	s4 =	sadd.s32 $0x800, s3;
	[sflag:s23] =	ssyncadd.s32 $0xFFFFC000  }
0x59: {  	[hbm:s4], [sflag:s24] =	dma.local [spmem:s25], $0x800  }
0x5a: {  	s15 =	sadd.s32 @!p0 $0xFFFFFF80, s31;
	s4 =	simm.s32 @!p0 $0xA400  }
0x5b: {  	[tilespmem:s4], [sflag:$0x2] =	stream.indirect.gather @!p0 [hbm4b:s1+s13], $0x80, s15, s13, $0xb8;
	[tilespmem:$0x1E400] =	vst v63  }
0x5c: {  	_ =	swait.ge [sflag:s26], $0x800  }
0x5d: {  	[sflag:s26] =	ssyncset.done $0x0  }
0x5e: {  	[sflag:s26] =	ssyncadd.s32 $0xFFFFF800  }
0x5f: {  	_ =	swait.ge [sflag:s28], $0x4000  }
0x60: {  	[sflag:s28] =	ssyncset.done $0x0  }
0x61: {  	[sflag:s28] =	ssyncadd.s32 $0xFFFFC000  }
0x62: {  	[spmem:s6] =	stream.linear.scatter [tilespmem:s29], [sflag:$0x6], $0x4000, $0x38;
	[tilespmem:$0x1E400] =	vst v63  }
.Ltmp2:
0x63: {  	_ = 	snop;
	(pc) =	sbr.rel @p0 .LBB2_4-.Ltmp2, $4  }
0x64: {  	_ =	swait.ge [sflag:s18], $0x4000  }
0x65: {  	[sflag:s18] =	ssyncset.done $0x0  }
0x66: {  	s3 =	sadd.s32 $0x1000, s3;
	[sflag:s18] =	ssyncadd.s32 $0xFFFFC000  }
0x67: {  	[hbm:s3], [sflag:s19] =	dma.local [spmem:s20], $0x800  }
.Ltmp3:
0x68: {  	(pc) =	sbr.rel .LBB2_2-.Ltmp3, $3  }
0x69: {  	_ =	sdelay $0x1  }
0x6a: {  	[tilespmem:s16], [sflag:$0x3] =	stream.indirect.gather [hbm4b:s1+s12], $0x80, s31, s12, $0xb8;
	[tilespmem:$0x1E400] =	vst v63  }
0x6b: {  	s2 =	sadd.s32 $0x2000, s2;
	s31 =	sadd.s32 $0x200, s31  }
.LBB2_5:
0x6c: {  	_ =	sfence.sel $0x180000  }
0x6d: {  	[bflag:$0x0] =	sbarrier.arrive $0xFFFF  }
0x6e: {  	_ =	strace $0x90000047  }
0x6f: {  	[bflag:$0x2] =	sbarrier.arrive $0xFFFF  }
0x70: {  	p0 =	sne.s32 s0, $0x0;
	s0 =	rddreg [dreg:$0x4]  }
0x71: {  	s0 =	sadd.s32 @!p0 $0x100000, s0  }
0x72: {  	[sflag:s0] =	ssyncadd.tile.s32 @!p0 $0x1;
	_ =	shalt  }
.Lfunc_end2:
_tile_overlayer_lowered:
.L_overlay_start_2:
0x73: {  	(tag) =	ssettag $0x2  }
0x74: {  	s0 =	rddreg [dreg:$0x0];
	s2 =	stileid.u32  }
0x75: {  	s1 =	rddreg [dreg:$0x1];
	p0 =	sne.s32 s2, $0x0  }
0x76: {  	s3 =	rddreg [dreg:$0x2];
	[bflag:$0x3] =	sbarrier.arrive $0xFFFF;
	s2 =	simm.s32 @!p0 $0x1C09  }
0x77: {  	[timem:s3], [sflag:s2] =	dma.local @!p0 [hbm:s0], s1  }
0x78: {  	s0 =	simm.s32 @!p0 $0x9  }
0x79: {  	_ =	swait.ge @!p0 [sflag:s0], s1  }
0x7a: {  	s1 =	ssub.s32 @!p0 $0x0, s1;
	[sflag:s0] =	ssyncset.done @!p0 $0x0  }
0x7b: {  	[sflag:s0] =	ssyncadd.s32 @!p0 s1  }
0x7c: {  	[bflag:$0x3] =	sbarrier.arrive $0xFFFF  }
0x7d: {  	_ =	shalt  }

</sc_bundles>
